<compile_context>
chip_gen: v7x
topology: tpu7x:2x2x1
jax: 0.10.2.dev20260603
libtpu: 0.0.44.dev20260713+nightly
codegen_flags: <defaults>
</compile_context>

<pallas_src>
import functools
import math
import jax
import jax.numpy as jnp
from jax import lax
from jax.experimental import pallas as pl
from jax.experimental.pallas import tpu as pltpu
from jax.experimental.pallas import tpu_sc as plsc

_K = 327
_ROWS = 128
_COLS = 32768
_NW = 32
_ROWS_PER_W = _ROWS // _NW
_SLICES = _COLS // 16
_INTERP_ITERS = 8
_MAX_ITERS = 50


def _f2k_s(v):
    b = lax.bitcast_convert_type(v, jnp.int32)
    return jnp.where(b < 0, b ^ jnp.int32(0x7FFFFFFF), b)


def _k2f_s(k):
    b = jnp.where(k < 0, k ^ jnp.int32(0x7FFFFFFF), k)
    return lax.bitcast_convert_type(b, jnp.float32)


def _rcp(x):
    y = lax.bitcast_convert_type(
        jnp.int32(0x7EF127EA) - lax.bitcast_convert_type(x, jnp.int32),
        jnp.float32,
    )
    y = y * (jnp.float32(2.0) - x * y)
    y = y * (jnp.float32(2.0) - x * y)
    y = y * (jnp.float32(2.0) - x * y)
    return y


def _log2_approx(c):
    b = lax.bitcast_convert_type(c, jnp.int32)
    return b.astype(jnp.float32) * jnp.float32(1.0 / 8388608.0) - jnp.float32(127.0)


def _sc_kernel(x_hbm, o_hbm, row_v, sem):
    wid = lax.axis_index("s") * 2 + lax.axis_index("c")
    kf = jnp.float32(_K)
    one = jnp.int32(1)
    l2k = jnp.float32(math.log2(float(_K)))

    for rr in range(_ROWS_PER_W):
        r = wid * _ROWS_PER_W + rr
        pltpu.sync_copy(x_hbm.at[r], row_v)

        def count_ge(p):
            def cbody(i, acc):
                base = i * 128
                for u in range(8):
                    v = row_v[pl.ds(base + u * 16, 16)]
                    acc = acc + jnp.where(v >= p, one, jnp.int32(0))
                return acc

            acc = lax.fori_loop(
                0, _SLICES // 8, cbody, jnp.zeros((16,), jnp.int32)
            )
            return jnp.sum(acc).astype(jnp.float32)

        neg_inf_k = _f2k_s(jnp.float32(-jnp.inf))
        pos_nan_k = _f2k_s(jnp.float32(jnp.inf)) + one

        def cond(st):
            j, lo_k, hi_k, llo, lhi, done, bound = st
            return jnp.logical_and(j < _MAX_ITERS, done == 0)

        def body(st):
            j, lo_k, hi_k, llo, lhi, done, bound = st
            lo_v = _k2f_s(lo_k)
            hi_v = _k2f_s(hi_k)

            width1 = hi_k == lo_k + one
            bound = jnp.where(width1, lo_v, bound)
            done = jnp.where(width1, one, done)

            rt = (l2k - lhi) * _rcp(llo - lhi)
            p_interp = hi_v + (lo_v - hi_v) * rt
            pk_i = _f2k_s(p_interp)
            pk_m = (lo_k >> 1) + (hi_k >> 1) + (lo_k & hi_k & one)
            pk = jnp.where(j < _INTERP_ITERS, pk_i, pk_m)
            pk = jnp.clip(pk, lo_k + one, hi_k - one)
            p_v = _k2f_s(pk)

            cnt = count_ge(p_v)

            hit = jnp.logical_and(done == 0, cnt == kf)
            bound = jnp.where(hit, p_v, bound)
            done = jnp.where(hit, one, done)

            lp = _log2_approx(jnp.maximum(cnt, jnp.float32(0.5)))
            live = done == 0
            take_lo = jnp.logical_and(live, cnt >= kf)
            take_hi = jnp.logical_and(live, cnt < kf)
            lo_k = jnp.where(take_lo, pk, lo_k)
            llo = jnp.where(take_lo, lp, llo)
            hi_k = jnp.where(take_hi, pk, hi_k)
            lhi = jnp.where(take_hi, lp, lhi)
            return j + one, lo_k, hi_k, llo, lhi, done, bound

        st0 = (
            jnp.int32(0),
            neg_inf_k,
            pos_nan_k,
            _log2_approx(jnp.float32(_COLS)),
            jnp.float32(-1.0),
            jnp.int32(0),
            jnp.float32(0.0),
        )
        st = lax.while_loop(cond, body, st0)
        _, lo_k, _, _, _, done, bound = st
        bound = jnp.where(done == 0, _k2f_s(lo_k), bound)

        def mbody(i, carry):
            base = i * 128
            for u in range(8):
                v = row_v[pl.ds(base + u * 16, 16)]
                row_v[pl.ds(base + u * 16, 16)] = jnp.where(
                    v >= bound, v, jnp.float32(0.0)
                )
            return carry

        lax.fori_loop(0, _SLICES // 8, mbody, jnp.int32(0))
        pltpu.sync_copy(row_v, o_hbm.at[r])


def kernel(x):
    mesh = plsc.VectorSubcoreMesh(core_axis_name="c", subcore_axis_name="s")
    f = functools.partial(
        pl.kernel,
        mesh=mesh,
        out_type=jax.ShapeDtypeStruct((_ROWS, _COLS), jnp.float32),
        scratch_types=[
            pltpu.VMEM((_COLS,), jnp.float32),
            pltpu.SemaphoreType.DMA,
        ],
        compiler_params=pltpu.CompilerParams(needs_layout_passes=False),
    )(_sc_kernel)
    return f(x)

# --- scband reference (transcript-rebuilt; emitter-appended) ---
"""Pipeline reference for scband-sparsify1-d-kactive-ionline-23398981829300 (READ-ONLY COPY).

The authoritative reference and input builder live on the scoring server;
editing this copy changes nothing except your own understanding.
"""

import jax, jax.numpy as jnp
import numpy as np

# config: D2sampler=False, slice_dim=[1, 32768], acc=0.01
# k = int(slice_dim[1] * acc) = int(32768 * 0.01) = 327
# k_per_under_mask = k = 327
K_PER_UNDER_MASK = 327


def setup_inputs(seed: int = 0) -> dict:
    key = jax.random.key(seed)
    x = jax.random.normal(key, (128, 32768), dtype=jnp.float32)
    return {"x": x}


def reference(x):
    # topval = x.topk(k, dim=1)[0][:, -1]  -> k-th largest value per row
    topval = jax.lax.top_k(x, K_PER_UNDER_MASK)[0][:, -1]  # [B]
    # expand to [B, N] via broadcasting (torch expand+permute equivalent)
    comp = (x >= topval[:, None]).astype(x.dtype)
    return comp * x

if __name__ == "__main__":
    import jax
    _d = setup_inputs()
    print(jax.jit(kernel)(*tuple(_d.values())))

</pallas_src>

<mosaic_0001>
#map = affine_map<(d0, d1) -> (0, 0)>
module attributes {stable_mosaic.version = 14 : i64} {
  func.func @_sc_kernel(%arg0: i32, %arg1: i32, %arg2: memref<128x32768xf32, #tpu.memory_space<hbm>>, %arg3: memref<128x32768xf32, #tpu.memory_space<hbm>>, %arg4: memref<32768xf32, #tpu.memory_space<vmem>>, %arg5: memref<!tpu.dma_semaphore, #tpu.memory_space<semaphore_mem>>) attributes {dimension_semantics = [#tpu.dimension_semantics<core_parallel>, #tpu.dimension_semantics<subcore_parallel>], iteration_bounds = array<i64: 2, 16>, scalar_prefetch = 0 : i64, scratch_operands = 2 : i64, tpu.core_type = #tpu.core_type<sc_vector_subcore>, window_params = [{transform_indices = #map}, {transform_indices = #map}]} {
    %mul3A = arith.constant 2 : i32
    %mul3A_0 = arith.muli %arg1, %mul3A : i32
    %add3A = arith.addi %mul3A_0, %arg0 : i32
    %mul3A_1 = arith.constant 4 : i32
    %mul3A_2 = arith.muli %add3A, %mul3A_1 : i32
    %add3A_3 = arith.constant 0 : i32
    %add3A_4 = arith.addi %mul3A_2, %add3A_3 : i32
    "tpu.region"() ({
      %run_scoped3A = tpu.sem_alloc : memref<!tpu.dma_semaphore, #tpu.memory_space<semaphore_mem>>
      %dma_start3A = arith.constant 0 : i32
      %dma_start3A_192 = tpu.memref_slice %arg2[%add3A_4, %dma_start3A] : memref<128x32768xf32, #tpu.memory_space<hbm>> -> memref<1x32768xf32, #tpu.memory_space<hbm>>
      %dma_start3A_193 = tpu.memref_squeeze %dma_start3A_192 : memref<1x32768xf32, #tpu.memory_space<hbm>> -> memref<32768xf32, #tpu.memory_space<hbm>>
      %dma_start3A_194 = arith.constant 0 : i32
      %dma_start3A_195 = tpu.memref_slice %arg2[%add3A_4, %dma_start3A_194] : memref<128x32768xf32, #tpu.memory_space<hbm>> -> memref<1x32768xf32, #tpu.memory_space<hbm>>
      %dma_start3A_196 = tpu.memref_squeeze %dma_start3A_195 : memref<1x32768xf32, #tpu.memory_space<hbm>> -> memref<32768xf32, #tpu.memory_space<hbm>>
      tpu.enqueue_dma source(%dma_start3A_196 : memref<32768xf32, #tpu.memory_space<hbm>>) target(%arg4 : memref<32768xf32, #tpu.memory_space<vmem>>) target_semaphore(%run_scoped3A : memref<!tpu.dma_semaphore, #tpu.memory_space<semaphore_mem>>)
      %dma_wait3A = arith.constant 0 : i32
      %dma_wait3A_197 = tpu.memref_slice %arg2[%add3A_4, %dma_wait3A] : memref<128x32768xf32, #tpu.memory_space<hbm>> -> memref<1x32768xf32, #tpu.memory_space<hbm>>
      %dma_wait3A_198 = tpu.memref_squeeze %dma_wait3A_197 : memref<1x32768xf32, #tpu.memory_space<hbm>> -> memref<32768xf32, #tpu.memory_space<hbm>>
      %dma_wait3A_199 = arith.constant 0 : i32
      %dma_wait3A_200 = tpu.memref_slice %arg2[%add3A_4, %dma_wait3A_199] : memref<128x32768xf32, #tpu.memory_space<hbm>> -> memref<1x32768xf32, #tpu.memory_space<hbm>>
      %dma_wait3A_201 = tpu.memref_squeeze %dma_wait3A_200 : memref<1x32768xf32, #tpu.memory_space<hbm>> -> memref<32768xf32, #tpu.memory_space<hbm>>
      tpu.wait_dma2 semaphore(%run_scoped3A : memref<!tpu.dma_semaphore, #tpu.memory_space<semaphore_mem>>) src(%dma_wait3A_201 : memref<32768xf32, #tpu.memory_space<hbm>>) dst(%arg4 : memref<32768xf32, #tpu.memory_space<vmem>>)
      tpu.yield
    }) : () -> ()
    %bitcast_convert_type3A = arith.constant 0xFF800000 : f32
    %bitcast_convert_type3A_5 = arith.bitcast %bitcast_convert_type3A : f32 to i32
    %lt3A = arith.constant 0 : i32
    %lt3A_6 = arith.cmpi slt, %bitcast_convert_type3A_5, %lt3A : i32
    %xor3A = arith.constant 2147483647 : i32
    %xor3A_7 = arith.xori %bitcast_convert_type3A_5, %xor3A : i32
    %select_n3A = arith.select %lt3A_6, %xor3A_7, %bitcast_convert_type3A_5 : i32
    %bitcast_convert_type3A_8 = arith.constant 0x7F800000 : f32
    %bitcast_convert_type3A_9 = arith.bitcast %bitcast_convert_type3A_8 : f32 to i32
    %lt3A_10 = arith.constant 0 : i32
    %lt3A_11 = arith.cmpi slt, %bitcast_convert_type3A_9, %lt3A_10 : i32
    %xor3A_12 = arith.constant 2147483647 : i32
    %xor3A_13 = arith.xori %bitcast_convert_type3A_9, %xor3A_12 : i32
    %select_n3A_14 = arith.select %lt3A_11, %xor3A_13, %bitcast_convert_type3A_9 : i32
    %add3A_15 = arith.constant 1 : i32
    %add3A_16 = arith.addi %select_n3A_14, %add3A_15 : i32
    %bitcast_convert_type3A_17 = arith.constant 3.276800e+04 : f32
    %bitcast_convert_type3A_18 = arith.bitcast %bitcast_convert_type3A_17 : f32 to i32
    %convert_element_type3A = arith.sitofp %bitcast_convert_type3A_18 : i32 to f32
    %mul3A_19 = arith.constant 1.1920929E-7 : f32
    %mul3A_20 = arith.mulf %convert_element_type3A, %mul3A_19 : f32
    %sub3A = arith.constant 1.270000e+02 : f32
    %sub3A_21 = arith.subf %mul3A_20, %sub3A : f32
    %while3A = arith.constant 1 : i32
    %while3A_22 = arith.constant 8.35314655 : f32
    %while3A_23 = arith.constant 3.270000e+02 : f32
    %while3A_24 = arith.constant 0 : i32
    %while3A_25 = arith.constant -1.000000e+00 : f32
    %while3A_26 = arith.constant 0 : i32
    %while3A_27 = arith.constant 0.000000e+00 : f32
    %while3A_28:7 = scf.while (%while3A_192 = %while3A_24, %while3A_193 = %select_n3A, %while3A_194 = %add3A_16, %while3A_195 = %sub3A_21, %while3A_196 = %while3A_25, %while3A_197 = %while3A_26, %while3A_198 = %while3A_27) : (i32, i32, i32, f32, f32, i32, f32) -> (i32, i32, i32, f32, f32, i32, f32) {
      %lt3A_199 = arith.constant 50 : i32
      %lt3A_200 = arith.cmpi slt, %while3A_192, %lt3A_199 : i32
      %eq3A_201 = arith.constant 0 : i32
      %eq3A_202 = arith.cmpi eq, %while3A_197, %eq3A_201 : i32
      %and3A = arith.andi %lt3A_200, %eq3A_202 : i1
      scf.condition(%and3A) %while3A_192, %while3A_193, %while3A_194, %while3A_195, %while3A_196, %while3A_197, %while3A_198 : i32, i32, i32, f32, f32, i32, f32
    } do {
    ^bb0(%while3A_192: i32, %while3A_193: i32, %while3A_194: i32, %while3A_195: f32, %while3A_196: f32, %while3A_197: i32, %while3A_198: f32):
      %lt3A_199 = arith.constant 0 : i32
      %lt3A_200 = arith.cmpi slt, %while3A_193, %lt3A_199 : i32
      %xor3A_201 = arith.constant 2147483647 : i32
      %xor3A_202 = arith.xori %while3A_193, %xor3A_201 : i32
      %select_n3A_203 = arith.select %lt3A_200, %xor3A_202, %while3A_193 : i32
      %bitcast_convert_type3A_204 = arith.bitcast %select_n3A_203 : i32 to f32
      %lt3A_205 = arith.constant 0 : i32
      %lt3A_206 = arith.cmpi slt, %while3A_194, %lt3A_205 : i32
      %xor3A_207 = arith.constant 2147483647 : i32
      %xor3A_208 = arith.xori %while3A_194, %xor3A_207 : i32
      %select_n3A_209 = arith.select %lt3A_206, %xor3A_208, %while3A_194 : i32
      %bitcast_convert_type3A_210 = arith.bitcast %select_n3A_209 : i32 to f32
      %add3A_211 = arith.addi %while3A_193, %while3A : i32
      %eq3A_212 = arith.cmpi eq, %while3A_194, %add3A_211 : i32
      %select_n3A_213 = arith.select %eq3A_212, %bitcast_convert_type3A_204, %while3A_198 : f32
      %select_n3A_214 = arith.select %eq3A_212, %while3A, %while3A_197 : i32
      %sub3A_215 = arith.subf %while3A_22, %while3A_196 : f32
      %sub3A_216 = arith.subf %while3A_195, %while3A_196 : f32
      %bitcast_convert_type3A_217 = arith.bitcast %sub3A_216 : f32 to i32
      %sub3A_218 = arith.constant 2129733610 : i32
      %sub3A_219 = arith.subi %sub3A_218, %bitcast_convert_type3A_217 : i32
      %bitcast_convert_type3A_220 = arith.bitcast %sub3A_219 : i32 to f32
      %mul3A_221 = arith.mulf %sub3A_216, %bitcast_convert_type3A_220 : f32
      %sub3A_222 = arith.constant 2.000000e+00 : f32
      %sub3A_223 = arith.subf %sub3A_222, %mul3A_221 : f32
      %mul3A_224 = arith.mulf %bitcast_convert_type3A_220, %sub3A_223 : f32
      %mul3A_225 = arith.mulf %sub3A_216, %mul3A_224 : f32
      %sub3A_226 = arith.constant 2.000000e+00 : f32
      %sub3A_227 = arith.subf %sub3A_226, %mul3A_225 : f32
      %mul3A_228 = arith.mulf %mul3A_224, %sub3A_227 : f32
      %mul3A_229 = arith.mulf %sub3A_216, %mul3A_228 : f32
      %sub3A_230 = arith.constant 2.000000e+00 : f32
      %sub3A_231 = arith.subf %sub3A_230, %mul3A_229 : f32
      %mul3A_232 = arith.mulf %mul3A_228, %sub3A_231 : f32
      %mul3A_233 = arith.mulf %sub3A_215, %mul3A_232 : f32
      %sub3A_234 = arith.subf %bitcast_convert_type3A_204, %bitcast_convert_type3A_210 : f32
      %mul3A_235 = arith.mulf %sub3A_234, %mul3A_233 : f32
      %add3A_236 = arith.addf %bitcast_convert_type3A_210, %mul3A_235 : f32
      %bitcast_convert_type3A_237 = arith.bitcast %add3A_236 : f32 to i32
      %lt3A_238 = arith.constant 0 : i32
      %lt3A_239 = arith.cmpi slt, %bitcast_convert_type3A_237, %lt3A_238 : i32
      %xor3A_240 = arith.constant 2147483647 : i32
      %xor3A_241 = arith.xori %bitcast_convert_type3A_237, %xor3A_240 : i32
      %select_n3A_242 = arith.select %lt3A_239, %xor3A_241, %bitcast_convert_type3A_237 : i32
      %shift_right_arithmetic3A = arith.constant 1 : i32
      %shift_right_arithmetic3A_243 = arith.shrsi %while3A_193, %shift_right_arithmetic3A : i32
      %shift_right_arithmetic3A_244 = arith.constant 1 : i32
      %shift_right_arithmetic3A_245 = arith.shrsi %while3A_194, %shift_right_arithmetic3A_244 : i32
      %add3A_246 = arith.addi %shift_right_arithmetic3A_243, %shift_right_arithmetic3A_245 : i32
      %and3A = arith.andi %while3A_193, %while3A_194 : i32
      %and3A_247 = arith.andi %and3A, %while3A : i32
      %add3A_248 = arith.addi %add3A_246, %and3A_247 : i32
      %lt3A_249 = arith.constant 8 : i32
      %lt3A_250 = arith.cmpi slt, %while3A_192, %lt3A_249 : i32
      %select_n3A_251 = arith.select %lt3A_250, %select_n3A_242, %add3A_248 : i32
      %add3A_252 = arith.addi %while3A_193, %while3A : i32
      %sub3A_253 = arith.subi %while3A_194, %while3A : i32
      %max3A = arith.maxsi %add3A_252, %select_n3A_251 : i32
      %min3A = arith.minsi %sub3A_253, %max3A : i32
      %lt3A_254 = arith.constant 0 : i32
      %lt3A_255 = arith.cmpi slt, %min3A, %lt3A_254 : i32
      %xor3A_256 = arith.constant 2147483647 : i32
      %xor3A_257 = arith.xori %min3A, %xor3A_256 : i32
      %select_n3A_258 = arith.select %lt3A_255, %xor3A_257, %min3A : i32
      %bitcast_convert_type3A_259 = arith.bitcast %select_n3A_258 : i32 to f32
      %broadcast_in_dim3A = arith.constant 0 : i32
      %broadcast_in_dim3A_260 = vector.broadcast %broadcast_in_dim3A : i32 to vector<16xi32>
      %scan3A_261 = arith.constant 0 : i32
      %scan3A_262 = arith.constant 256 : i32
      %scan3A_263 = arith.addi %scan3A_261, %scan3A_262 : i32
      %scan3A_264 = arith.constant 1 : i32
      %scan3A_265 = scf.for %scan3A_295 = %scan3A_261 to %scan3A_263 step %scan3A_264 iter_args(%scan3A_296 = %broadcast_in_dim3A_260) -> (vector<16xi32>)  : i32 {
        %mul3A_297 = arith.constant 128 : i32
        %mul3A_298 = arith.muli %scan3A_295, %mul3A_297 : i32
        %add3A_299 = arith.constant 0 : i32
        %add3A_300 = arith.addi %mul3A_298, %add3A_299 : i32
        %get3A = arith.index_cast %add3A_300 : i32 to index
        %get3A_301 = tpu.vector_load %arg4[%get3A] {strides = array<i32>} : memref<32768xf32, #tpu.memory_space<vmem>>, vector<16xf32>,
        %ge3A_302 = vector.broadcast %bitcast_convert_type3A_259 : f32 to vector<16xf32>
        %ge3A_303 = arith.cmpf oge, %get3A_301, %ge3A_302 : vector<16xf32>
        %jit3A = arith.constant 0 : i32
        %broadcast_in_dim3A_304 = vector.broadcast %while3A : i32 to vector<16xi32>
        %broadcast_in_dim3A_305 = vector.broadcast %jit3A : i32 to vector<16xi32>
        %select_n3A_306 = arith.select %ge3A_303, %broadcast_in_dim3A_304, %broadcast_in_dim3A_305 : vector<16xi1>, vector<16xi32>
        %add3A_307 = arith.addi %scan3A_296, %select_n3A_306 : vector<16xi32>
        %add3A_308 = arith.constant 16 : i32
        %add3A_309 = arith.addi %mul3A_298, %add3A_308 : i32
        %get3A_310 = arith.index_cast %add3A_309 : i32 to index
        %get3A_311 = tpu.vector_load %arg4[%get3A_310] {strides = array<i32>} : memref<32768xf32, #tpu.memory_space<vmem>>, vector<16xf32>,
        %ge3A_312 = vector.broadcast %bitcast_convert_type3A_259 : f32 to vector<16xf32>
        %ge3A_313 = arith.cmpf oge, %get3A_311, %ge3A_312 : vector<16xf32>
        %jit3A_314 = arith.constant 0 : i32
        %broadcast_in_dim3A_315 = vector.broadcast %while3A : i32 to vector<16xi32>
        %broadcast_in_dim3A_316 = vector.broadcast %jit3A_314 : i32 to vector<16xi32>
        %select_n3A_317 = arith.select %ge3A_313, %broadcast_in_dim3A_315, %broadcast_in_dim3A_316 : vector<16xi1>, vector<16xi32>
        %add3A_318 = arith.addi %add3A_307, %select_n3A_317 : vector<16xi32>
        %add3A_319 = arith.constant 32 : i32
        %add3A_320 = arith.addi %mul3A_298, %add3A_319 : i32
        %get3A_321 = arith.index_cast %add3A_320 : i32 to index
        %get3A_322 = tpu.vector_load %arg4[%get3A_321] {strides = array<i32>} : memref<32768xf32, #tpu.memory_space<vmem>>, vector<16xf32>,
        %ge3A_323 = vector.broadcast %bitcast_convert_type3A_259 : f32 to vector<16xf32>
        %ge3A_324 = arith.cmpf oge, %get3A_322, %ge3A_323 : vector<16xf32>
        %jit3A_325 = arith.constant 0 : i32
        %broadcast_in_dim3A_326 = vector.broadcast %while3A : i32 to vector<16xi32>
        %broadcast_in_dim3A_327 = vector.broadcast %jit3A_325 : i32 to vector<16xi32>
        %select_n3A_328 = arith.select %ge3A_324, %broadcast_in_dim3A_326, %broadcast_in_dim3A_327 : vector<16xi1>, vector<16xi32>
        %add3A_329 = arith.addi %add3A_318, %select_n3A_328 : vector<16xi32>
        %add3A_330 = arith.constant 48 : i32
        %add3A_331 = arith.addi %mul3A_298, %add3A_330 : i32
        %get3A_332 = arith.index_cast %add3A_331 : i32 to index
        %get3A_333 = tpu.vector_load %arg4[%get3A_332] {strides = array<i32>} : memref<32768xf32, #tpu.memory_space<vmem>>, vector<16xf32>,
        %ge3A_334 = vector.broadcast %bitcast_convert_type3A_259 : f32 to vector<16xf32>
        %ge3A_335 = arith.cmpf oge, %get3A_333, %ge3A_334 : vector<16xf32>
        %jit3A_336 = arith.constant 0 : i32
        %broadcast_in_dim3A_337 = vector.broadcast %while3A : i32 to vector<16xi32>
        %broadcast_in_dim3A_338 = vector.broadcast %jit3A_336 : i32 to vector<16xi32>
        %select_n3A_339 = arith.select %ge3A_335, %broadcast_in_dim3A_337, %broadcast_in_dim3A_338 : vector<16xi1>, vector<16xi32>
        %add3A_340 = arith.addi %add3A_329, %select_n3A_339 : vector<16xi32>
        %add3A_341 = arith.constant 64 : i32
        %add3A_342 = arith.addi %mul3A_298, %add3A_341 : i32
        %get3A_343 = arith.index_cast %add3A_342 : i32 to index
        %get3A_344 = tpu.vector_load %arg4[%get3A_343] {strides = array<i32>} : memref<32768xf32, #tpu.memory_space<vmem>>, vector<16xf32>,
        %ge3A_345 = vector.broadcast %bitcast_convert_type3A_259 : f32 to vector<16xf32>
        %ge3A_346 = arith.cmpf oge, %get3A_344, %ge3A_345 : vector<16xf32>
        %jit3A_347 = arith.constant 0 : i32
        %broadcast_in_dim3A_348 = vector.broadcast %while3A : i32 to vector<16xi32>
        %broadcast_in_dim3A_349 = vector.broadcast %jit3A_347 : i32 to vector<16xi32>
        %select_n3A_350 = arith.select %ge3A_346, %broadcast_in_dim3A_348, %broadcast_in_dim3A_349 : vector<16xi1>, vector<16xi32>
        %add3A_351 = arith.addi %add3A_340, %select_n3A_350 : vector<16xi32>
        %add3A_352 = arith.constant 80 : i32
        %add3A_353 = arith.addi %mul3A_298, %add3A_352 : i32
        %get3A_354 = arith.index_cast %add3A_353 : i32 to index
        %get3A_355 = tpu.vector_load %arg4[%get3A_354] {strides = array<i32>} : memref<32768xf32, #tpu.memory_space<vmem>>, vector<16xf32>,
        %ge3A_356 = vector.broadcast %bitcast_convert_type3A_259 : f32 to vector<16xf32>
        %ge3A_357 = arith.cmpf oge, %get3A_355, %ge3A_356 : vector<16xf32>
        %jit3A_358 = arith.constant 0 : i32
        %broadcast_in_dim3A_359 = vector.broadcast %while3A : i32 to vector<16xi32>
        %broadcast_in_dim3A_360 = vector.broadcast %jit3A_358 : i32 to vector<16xi32>
        %select_n3A_361 = arith.select %ge3A_357, %broadcast_in_dim3A_359, %broadcast_in_dim3A_360 : vector<16xi1>, vector<16xi32>
        %add3A_362 = arith.addi %add3A_351, %select_n3A_361 : vector<16xi32>
        %add3A_363 = arith.constant 96 : i32
        %add3A_364 = arith.addi %mul3A_298, %add3A_363 : i32
        %get3A_365 = arith.index_cast %add3A_364 : i32 to index
        %get3A_366 = tpu.vector_load %arg4[%get3A_365] {strides = array<i32>} : memref<32768xf32, #tpu.memory_space<vmem>>, vector<16xf32>,
        %ge3A_367 = vector.broadcast %bitcast_convert_type3A_259 : f32 to vector<16xf32>
        %ge3A_368 = arith.cmpf oge, %get3A_366, %ge3A_367 : vector<16xf32>
        %jit3A_369 = arith.constant 0 : i32
        %broadcast_in_dim3A_370 = vector.broadcast %while3A : i32 to vector<16xi32>
        %broadcast_in_dim3A_371 = vector.broadcast %jit3A_369 : i32 to vector<16xi32>
        %select_n3A_372 = arith.select %ge3A_368, %broadcast_in_dim3A_370, %broadcast_in_dim3A_371 : vector<16xi1>, vector<16xi32>
        %add3A_373 = arith.addi %add3A_362, %select_n3A_372 : vector<16xi32>
        %add3A_374 = arith.constant 112 : i32
        %add3A_375 = arith.addi %mul3A_298, %add3A_374 : i32
        %get3A_376 = arith.index_cast %add3A_375 : i32 to index
        %get3A_377 = tpu.vector_load %arg4[%get3A_376] {strides = array<i32>} : memref<32768xf32, #tpu.memory_space<vmem>>, vector<16xf32>,
        %ge3A_378 = vector.broadcast %bitcast_convert_type3A_259 : f32 to vector<16xf32>
        %ge3A_379 = arith.cmpf oge, %get3A_377, %ge3A_378 : vector<16xf32>
        %jit3A_380 = arith.constant 0 : i32
        %broadcast_in_dim3A_381 = vector.broadcast %while3A : i32 to vector<16xi32>
        %broadcast_in_dim3A_382 = vector.broadcast %jit3A_380 : i32 to vector<16xi32>
        %select_n3A_383 = arith.select %ge3A_379, %broadcast_in_dim3A_381, %broadcast_in_dim3A_382 : vector<16xi1>, vector<16xi32>
        %add3A_384 = arith.addi %add3A_373, %select_n3A_383 : vector<16xi32>
        scf.yield %add3A_384 : vector<16xi32>
      }
      %scan3A_266 = arith.constant 256 : i32
      %reduce_sum3A = arith.constant true
      %reduce_sum3A_267 = vector.broadcast %reduce_sum3A : i1 to vector<16xi1>
      %reduce_sum3A_268 = tpu.scan <sum>, %scan3A_265 masked %reduce_sum3A_267 : vector<16xi32>, vector<16xi1> -> vector<16xi32>
      %reduce_sum3A_269 = vector.extract %reduce_sum3A_268[15] : i32 from vector<16xi32>
      %convert_element_type3A_270 = arith.sitofp %reduce_sum3A_269 : i32 to f32
      %eq3A_271 = arith.constant 0 : i32
      %eq3A_272 = arith.cmpi eq, %select_n3A_214, %eq3A_271 : i32
      %eq3A_273 = arith.cmpf oeq, %convert_element_type3A_270, %while3A_23 : f32
      %and3A_274 = arith.andi %eq3A_272, %eq3A_273 : i1
      %select_n3A_275 = arith.select %and3A_274, %bitcast_convert_type3A_259, %select_n3A_213 : f32
      %select_n3A_276 = arith.select %and3A_274, %while3A, %select_n3A_214 : i32
      %max3A_277 = arith.constant 5.000000e-01 : f32
      %max3A_278 = arith.maximumf %convert_element_type3A_270, %max3A_277 : f32
      %bitcast_convert_type3A_279 = arith.bitcast %max3A_278 : f32 to i32
      %convert_element_type3A_280 = arith.sitofp %bitcast_convert_type3A_279 : i32 to f32
      %mul3A_281 = arith.constant 1.1920929E-7 : f32
      %mul3A_282 = arith.mulf %convert_element_type3A_280, %mul3A_281 : f32
      %sub3A_283 = arith.constant 1.270000e+02 : f32
      %sub3A_284 = arith.subf %mul3A_282, %sub3A_283 : f32
      %eq3A_285 = arith.constant 0 : i32
      %eq3A_286 = arith.cmpi eq, %select_n3A_276, %eq3A_285 : i32
      %ge3A = arith.cmpf oge, %convert_element_type3A_270, %while3A_23 : f32
      %and3A_287 = arith.andi %eq3A_286, %ge3A : i1
      %lt3A_288 = arith.cmpf olt, %convert_element_type3A_270, %while3A_23 : f32
      %and3A_289 = arith.andi %eq3A_286, %lt3A_288 : i1
      %select_n3A_290 = arith.select %and3A_287, %min3A, %while3A_193 : i32
      %select_n3A_291 = arith.select %and3A_287, %sub3A_284, %while3A_195 : f32
      %select_n3A_292 = arith.select %and3A_289, %min3A, %while3A_194 : i32
      %select_n3A_293 = arith.select %and3A_289, %sub3A_284, %while3A_196 : f32
      %add3A_294 = arith.addi %while3A_192, %while3A : i32
      scf.yield %add3A_294, %select_n3A_290, %select_n3A_292, %select_n3A_291, %select_n3A_293, %select_n3A_276, %select_n3A_275 : i32, i32, i32, f32, f32, i32, f32
    }
    %eq3A = arith.constant 0 : i32
    %eq3A_29 = arith.cmpi eq, %while3A_28#5, %eq3A : i32
    %lt3A_30 = arith.constant 0 : i32
    %lt3A_31 = arith.cmpi slt, %while3A_28#1, %lt3A_30 : i32
    %xor3A_32 = arith.constant 2147483647 : i32
    %xor3A_33 = arith.xori %while3A_28#1, %xor3A_32 : i32
    %select_n3A_34 = arith.select %lt3A_31, %xor3A_33, %while3A_28#1 : i32
    %bitcast_convert_type3A_35 = arith.bitcast %select_n3A_34 : i32 to f32
    %select_n3A_36 = arith.select %eq3A_29, %bitcast_convert_type3A_35, %while3A_28#6 : f32
    %scan3A = arith.constant 0 : i32
    %scan3A_37 = arith.constant 0 : i32
    %scan3A_38 = arith.constant 256 : i32
    %scan3A_39 = arith.addi %scan3A_37, %scan3A_38 : i32
    %scan3A_40 = arith.constant 1 : i32
    scf.for %scan3A_192 = %scan3A_37 to %scan3A_39 step %scan3A_40  : i32 {
      %mul3A_193 = arith.constant 128 : i32
      %mul3A_194 = arith.muli %scan3A_192, %mul3A_193 : i32
      %add3A_195 = arith.constant 0 : i32
      %add3A_196 = arith.addi %mul3A_194, %add3A_195 : i32
      %get3A = arith.index_cast %add3A_196 : i32 to index
      %get3A_197 = tpu.vector_load %arg4[%get3A] {strides = array<i32>} : memref<32768xf32, #tpu.memory_space<vmem>>, vector<16xf32>,
      %ge3A = vector.broadcast %select_n3A_36 : f32 to vector<16xf32>
      %ge3A_198 = arith.cmpf oge, %get3A_197, %ge3A : vector<16xf32>
      %jit3A = arith.constant 0.000000e+00 : f32
      %broadcast_in_dim3A = vector.broadcast %jit3A : f32 to vector<16xf32>
      %select_n3A_199 = arith.select %ge3A_198, %get3A_197, %broadcast_in_dim3A : vector<16xi1>, vector<16xf32>
      %add3A_200 = arith.constant 0 : i32
      %add3A_201 = arith.addi %mul3A_194, %add3A_200 : i32
      %swap3A = arith.index_cast %add3A_201 : i32 to index
      %swap3A_202 = tpu.vector_load %arg4[%swap3A] {strides = array<i32>} : memref<32768xf32, #tpu.memory_space<vmem>>, vector<16xf32>,
      tpu.vector_store %arg4[%swap3A], %select_n3A_199 {strides = array<i32>} : memref<32768xf32, #tpu.memory_space<vmem>>, vector<16xf32>,
      %add3A_203 = arith.constant 16 : i32
      %add3A_204 = arith.addi %mul3A_194, %add3A_203 : i32
      %get3A_205 = arith.index_cast %add3A_204 : i32 to index
      %get3A_206 = tpu.vector_load %arg4[%get3A_205] {strides = array<i32>} : memref<32768xf32, #tpu.memory_space<vmem>>, vector<16xf32>,
      %ge3A_207 = vector.broadcast %select_n3A_36 : f32 to vector<16xf32>
      %ge3A_208 = arith.cmpf oge, %get3A_206, %ge3A_207 : vector<16xf32>
      %jit3A_209 = arith.constant 0.000000e+00 : f32
      %broadcast_in_dim3A_210 = vector.broadcast %jit3A_209 : f32 to vector<16xf32>
      %select_n3A_211 = arith.select %ge3A_208, %get3A_206, %broadcast_in_dim3A_210 : vector<16xi1>, vector<16xf32>
      %add3A_212 = arith.constant 16 : i32
      %add3A_213 = arith.addi %mul3A_194, %add3A_212 : i32
      %swap3A_214 = arith.index_cast %add3A_213 : i32 to index
      %swap3A_215 = tpu.vector_load %arg4[%swap3A_214] {strides = array<i32>} : memref<32768xf32, #tpu.memory_space<vmem>>, vector<16xf32>,
      tpu.vector_store %arg4[%swap3A_214], %select_n3A_211 {strides = array<i32>} : memref<32768xf32, #tpu.memory_space<vmem>>, vector<16xf32>,
      %add3A_216 = arith.constant 32 : i32
      %add3A_217 = arith.addi %mul3A_194, %add3A_216 : i32
      %get3A_218 = arith.index_cast %add3A_217 : i32 to index
      %get3A_219 = tpu.vector_load %arg4[%get3A_218] {strides = array<i32>} : memref<32768xf32, #tpu.memory_space<vmem>>, vector<16xf32>,
      %ge3A_220 = vector.broadcast %select_n3A_36 : f32 to vector<16xf32>
      %ge3A_221 = arith.cmpf oge, %get3A_219, %ge3A_220 : vector<16xf32>
      %jit3A_222 = arith.constant 0.000000e+00 : f32
      %broadcast_in_dim3A_223 = vector.broadcast %jit3A_222 : f32 to vector<16xf32>
      %select_n3A_224 = arith.select %ge3A_221, %get3A_219, %broadcast_in_dim3A_223 : vector<16xi1>, vector<16xf32>
      %add3A_225 = arith.constant 32 : i32
      %add3A_226 = arith.addi %mul3A_194, %add3A_225 : i32
      %swap3A_227 = arith.index_cast %add3A_226 : i32 to index
      %swap3A_228 = tpu.vector_load %arg4[%swap3A_227] {strides = array<i32>} : memref<32768xf32, #tpu.memory_space<vmem>>, vector<16xf32>,
      tpu.vector_store %arg4[%swap3A_227], %select_n3A_224 {strides = array<i32>} : memref<32768xf32, #tpu.memory_space<vmem>>, vector<16xf32>,
      %add3A_229 = arith.constant 48 : i32
      %add3A_230 = arith.addi %mul3A_194, %add3A_229 : i32
      %get3A_231 = arith.index_cast %add3A_230 : i32 to index
      %get3A_232 = tpu.vector_load %arg4[%get3A_231] {strides = array<i32>} : memref<32768xf32, #tpu.memory_space<vmem>>, vector<16xf32>,
      %ge3A_233 = vector.broadcast %select_n3A_36 : f32 to vector<16xf32>
      %ge3A_234 = arith.cmpf oge, %get3A_232, %ge3A_233 : vector<16xf32>
      %jit3A_235 = arith.constant 0.000000e+00 : f32
      %broadcast_in_dim3A_236 = vector.broadcast %jit3A_235 : f32 to vector<16xf32>
      %select_n3A_237 = arith.select %ge3A_234, %get3A_232, %broadcast_in_dim3A_236 : vector<16xi1>, vector<16xf32>
      %add3A_238 = arith.constant 48 : i32
      %add3A_239 = arith.addi %mul3A_194, %add3A_238 : i32
      %swap3A_240 = arith.index_cast %add3A_239 : i32 to index
      %swap3A_241 = tpu.vector_load %arg4[%swap3A_240] {strides = array<i32>} : memref<32768xf32, #tpu.memory_space<vmem>>, vector<16xf32>,
      tpu.vector_store %arg4[%swap3A_240], %select_n3A_237 {strides = array<i32>} : memref<32768xf32, #tpu.memory_space<vmem>>, vector<16xf32>,
      %add3A_242 = arith.constant 64 : i32
      %add3A_243 = arith.addi %mul3A_194, %add3A_242 : i32
      %get3A_244 = arith.index_cast %add3A_243 : i32 to index
      %get3A_245 = tpu.vector_load %arg4[%get3A_244] {strides = array<i32>} : memref<32768xf32, #tpu.memory_space<vmem>>, vector<16xf32>,
      %ge3A_246 = vector.broadcast %select_n3A_36 : f32 to vector<16xf32>
      %ge3A_247 = arith.cmpf oge, %get3A_245, %ge3A_246 : vector<16xf32>
      %jit3A_248 = arith.constant 0.000000e+00 : f32
      %broadcast_in_dim3A_249 = vector.broadcast %jit3A_248 : f32 to vector<16xf32>
      %select_n3A_250 = arith.select %ge3A_247, %get3A_245, %broadcast_in_dim3A_249 : vector<16xi1>, vector<16xf32>
      %add3A_251 = arith.constant 64 : i32
      %add3A_252 = arith.addi %mul3A_194, %add3A_251 : i32
      %swap3A_253 = arith.index_cast %add3A_252 : i32 to index
      %swap3A_254 = tpu.vector_load %arg4[%swap3A_253] {strides = array<i32>} : memref<32768xf32, #tpu.memory_space<vmem>>, vector<16xf32>,
      tpu.vector_store %arg4[%swap3A_253], %select_n3A_250 {strides = array<i32>} : memref<32768xf32, #tpu.memory_space<vmem>>, vector<16xf32>,
      %add3A_255 = arith.constant 80 : i32
      %add3A_256 = arith.addi %mul3A_194, %add3A_255 : i32
      %get3A_257 = arith.index_cast %add3A_256 : i32 to index
      %get3A_258 = tpu.vector_load %arg4[%get3A_257] {strides = array<i32>} : memref<32768xf32, #tpu.memory_space<vmem>>, vector<16xf32>,
      %ge3A_259 = vector.broadcast %select_n3A_36 : f32 to vector<16xf32>
      %ge3A_260 = arith.cmpf oge, %get3A_258, %ge3A_259 : vector<16xf32>
      %jit3A_261 = arith.constant 0.000000e+00 : f32
      %broadcast_in_dim3A_262 = vector.broadcast %jit3A_261 : f32 to vector<16xf32>
      %select_n3A_263 = arith.select %ge3A_260, %get3A_258, %broadcast_in_dim3A_262 : vector<16xi1>, vector<16xf32>
      %add3A_264 = arith.constant 80 : i32
      %add3A_265 = arith.addi %mul3A_194, %add3A_264 : i32
      %swap3A_266 = arith.index_cast %add3A_265 : i32 to index
      %swap3A_267 = tpu.vector_load %arg4[%swap3A_266] {strides = array<i32>} : memref<32768xf32, #tpu.memory_space<vmem>>, vector<16xf32>,
      tpu.vector_store %arg4[%swap3A_266], %select_n3A_263 {strides = array<i32>} : memref<32768xf32, #tpu.memory_space<vmem>>, vector<16xf32>,
      %add3A_268 = arith.constant 96 : i32
      %add3A_269 = arith.addi %mul3A_194, %add3A_268 : i32
      %get3A_270 = arith.index_cast %add3A_269 : i32 to index
      %get3A_271 = tpu.vector_load %arg4[%get3A_270] {strides = array<i32>} : memref<32768xf32, #tpu.memory_space<vmem>>, vector<16xf32>,
      %ge3A_272 = vector.broadcast %select_n3A_36 : f32 to vector<16xf32>
      %ge3A_273 = arith.cmpf oge, %get3A_271, %ge3A_272 : vector<16xf32>
      %jit3A_274 = arith.constant 0.000000e+00 : f32
      %broadcast_in_dim3A_275 = vector.broadcast %jit3A_274 : f32 to vector<16xf32>
      %select_n3A_276 = arith.select %ge3A_273, %get3A_271, %broadcast_in_dim3A_275 : vector<16xi1>, vector<16xf32>
      %add3A_277 = arith.constant 96 : i32
      %add3A_278 = arith.addi %mul3A_194, %add3A_277 : i32
      %swap3A_279 = arith.index_cast %add3A_278 : i32 to index
      %swap3A_280 = tpu.vector_load %arg4[%swap3A_279] {strides = array<i32>} : memref<32768xf32, #tpu.memory_space<vmem>>, vector<16xf32>,
      tpu.vector_store %arg4[%swap3A_279], %select_n3A_276 {strides = array<i32>} : memref<32768xf32, #tpu.memory_space<vmem>>, vector<16xf32>,
      %add3A_281 = arith.constant 112 : i32
      %add3A_282 = arith.addi %mul3A_194, %add3A_281 : i32
      %get3A_283 = arith.index_cast %add3A_282 : i32 to index
      %get3A_284 = tpu.vector_load %arg4[%get3A_283] {strides = array<i32>} : memref<32768xf32, #tpu.memory_space<vmem>>, vector<16xf32>,
      %ge3A_285 = vector.broadcast %select_n3A_36 : f32 to vector<16xf32>
      %ge3A_286 = arith.cmpf oge, %get3A_284, %ge3A_285 : vector<16xf32>
      %jit3A_287 = arith.constant 0.000000e+00 : f32
      %broadcast_in_dim3A_288 = vector.broadcast %jit3A_287 : f32 to vector<16xf32>
      %select_n3A_289 = arith.select %ge3A_286, %get3A_284, %broadcast_in_dim3A_288 : vector<16xi1>, vector<16xf32>
      %add3A_290 = arith.constant 112 : i32
      %add3A_291 = arith.addi %mul3A_194, %add3A_290 : i32
      %swap3A_292 = arith.index_cast %add3A_291 : i32 to index
      %swap3A_293 = tpu.vector_load %arg4[%swap3A_292] {strides = array<i32>} : memref<32768xf32, #tpu.memory_space<vmem>>, vector<16xf32>,
      tpu.vector_store %arg4[%swap3A_292], %select_n3A_289 {strides = array<i32>} : memref<32768xf32, #tpu.memory_space<vmem>>, vector<16xf32>,
    }
    %scan3A_41 = arith.constant 256 : i32
    "tpu.region"() ({
      %run_scoped3A = tpu.sem_alloc : memref<!tpu.dma_semaphore, #tpu.memory_space<semaphore_mem>>
      %dma_start3A = arith.constant 0 : i32
      %dma_start3A_192 = tpu.memref_slice %arg3[%add3A_4, %dma_start3A] : memref<128x32768xf32, #tpu.memory_space<hbm>> -> memref<1x32768xf32, #tpu.memory_space<hbm>>
      %dma_start3A_193 = tpu.memref_squeeze %dma_start3A_192 : memref<1x32768xf32, #tpu.memory_space<hbm>> -> memref<32768xf32, #tpu.memory_space<hbm>>
      %dma_start3A_194 = arith.constant 0 : i32
      %dma_start3A_195 = tpu.memref_slice %arg3[%add3A_4, %dma_start3A_194] : memref<128x32768xf32, #tpu.memory_space<hbm>> -> memref<1x32768xf32, #tpu.memory_space<hbm>>
      %dma_start3A_196 = tpu.memref_squeeze %dma_start3A_195 : memref<1x32768xf32, #tpu.memory_space<hbm>> -> memref<32768xf32, #tpu.memory_space<hbm>>
      tpu.enqueue_dma source(%arg4 : memref<32768xf32, #tpu.memory_space<vmem>>) target(%dma_start3A_196 : memref<32768xf32, #tpu.memory_space<hbm>>) target_semaphore(%run_scoped3A : memref<!tpu.dma_semaphore, #tpu.memory_space<semaphore_mem>>)
      %dma_wait3A = arith.constant 0 : i32
      %dma_wait3A_197 = tpu.memref_slice %arg3[%add3A_4, %dma_wait3A] : memref<128x32768xf32, #tpu.memory_space<hbm>> -> memref<1x32768xf32, #tpu.memory_space<hbm>>
      %dma_wait3A_198 = tpu.memref_squeeze %dma_wait3A_197 : memref<1x32768xf32, #tpu.memory_space<hbm>> -> memref<32768xf32, #tpu.memory_space<hbm>>
      %dma_wait3A_199 = arith.constant 0 : i32
      %dma_wait3A_200 = tpu.memref_slice %arg3[%add3A_4, %dma_wait3A_199] : memref<128x32768xf32, #tpu.memory_space<hbm>> -> memref<1x32768xf32, #tpu.memory_space<hbm>>
      %dma_wait3A_201 = tpu.memref_squeeze %dma_wait3A_200 : memref<1x32768xf32, #tpu.memory_space<hbm>> -> memref<32768xf32, #tpu.memory_space<hbm>>
      tpu.wait_dma2 semaphore(%run_scoped3A : memref<!tpu.dma_semaphore, #tpu.memory_space<semaphore_mem>>) src(%arg4 : memref<32768xf32, #tpu.memory_space<vmem>>) dst(%dma_wait3A_201 : memref<32768xf32, #tpu.memory_space<hbm>>)
      tpu.yield
    }) : () -> ()
    %mul3A_42 = arith.constant 4 : i32
    %mul3A_43 = arith.muli %add3A, %mul3A_42 : i32
    %add3A_44 = arith.constant 1 : i32
    %add3A_45 = arith.addi %mul3A_43, %add3A_44 : i32
    "tpu.region"() ({
      %run_scoped3A = tpu.sem_alloc : memref<!tpu.dma_semaphore, #tpu.memory_space<semaphore_mem>>
      %dma_start3A = arith.constant 0 : i32
      %dma_start3A_192 = tpu.memref_slice %arg2[%add3A_45, %dma_start3A] : memref<128x32768xf32, #tpu.memory_space<hbm>> -> memref<1x32768xf32, #tpu.memory_space<hbm>>
      %dma_start3A_193 = tpu.memref_squeeze %dma_start3A_192 : memref<1x32768xf32, #tpu.memory_space<hbm>> -> memref<32768xf32, #tpu.memory_space<hbm>>
      %dma_start3A_194 = arith.constant 0 : i32
      %dma_start3A_195 = tpu.memref_slice %arg2[%add3A_45, %dma_start3A_194] : memref<128x32768xf32, #tpu.memory_space<hbm>> -> memref<1x32768xf32, #tpu.memory_space<hbm>>
      %dma_start3A_196 = tpu.memref_squeeze %dma_start3A_195 : memref<1x32768xf32, #tpu.memory_space<hbm>> -> memref<32768xf32, #tpu.memory_space<hbm>>
      tpu.enqueue_dma source(%dma_start3A_196 : memref<32768xf32, #tpu.memory_space<hbm>>) target(%arg4 : memref<32768xf32, #tpu.memory_space<vmem>>) target_semaphore(%run_scoped3A : memref<!tpu.dma_semaphore, #tpu.memory_space<semaphore_mem>>)
      %dma_wait3A = arith.constant 0 : i32
      %dma_wait3A_197 = tpu.memref_slice %arg2[%add3A_45, %dma_wait3A] : memref<128x32768xf32, #tpu.memory_space<hbm>> -> memref<1x32768xf32, #tpu.memory_space<hbm>>
      %dma_wait3A_198 = tpu.memref_squeeze %dma_wait3A_197 : memref<1x32768xf32, #tpu.memory_space<hbm>> -> memref<32768xf32, #tpu.memory_space<hbm>>
      %dma_wait3A_199 = arith.constant 0 : i32
      %dma_wait3A_200 = tpu.memref_slice %arg2[%add3A_45, %dma_wait3A_199] : memref<128x32768xf32, #tpu.memory_space<hbm>> -> memref<1x32768xf32, #tpu.memory_space<hbm>>
      %dma_wait3A_201 = tpu.memref_squeeze %dma_wait3A_200 : memref<1x32768xf32, #tpu.memory_space<hbm>> -> memref<32768xf32, #tpu.memory_space<hbm>>
      tpu.wait_dma2 semaphore(%run_scoped3A : memref<!tpu.dma_semaphore, #tpu.memory_space<semaphore_mem>>) src(%dma_wait3A_201 : memref<32768xf32, #tpu.memory_space<hbm>>) dst(%arg4 : memref<32768xf32, #tpu.memory_space<vmem>>)
      tpu.yield
    }) : () -> ()
    %bitcast_convert_type3A_46 = arith.constant 0xFF800000 : f32
    %bitcast_convert_type3A_47 = arith.bitcast %bitcast_convert_type3A_46 : f32 to i32
    %lt3A_48 = arith.constant 0 : i32
    %lt3A_49 = arith.cmpi slt, %bitcast_convert_type3A_47, %lt3A_48 : i32
    %xor3A_50 = arith.constant 2147483647 : i32
    %xor3A_51 = arith.xori %bitcast_convert_type3A_47, %xor3A_50 : i32
    %select_n3A_52 = arith.select %lt3A_49, %xor3A_51, %bitcast_convert_type3A_47 : i32
    %bitcast_convert_type3A_53 = arith.constant 0x7F800000 : f32
    %bitcast_convert_type3A_54 = arith.bitcast %bitcast_convert_type3A_53 : f32 to i32
    %lt3A_55 = arith.constant 0 : i32
    %lt3A_56 = arith.cmpi slt, %bitcast_convert_type3A_54, %lt3A_55 : i32
    %xor3A_57 = arith.constant 2147483647 : i32
    %xor3A_58 = arith.xori %bitcast_convert_type3A_54, %xor3A_57 : i32
    %select_n3A_59 = arith.select %lt3A_56, %xor3A_58, %bitcast_convert_type3A_54 : i32
    %add3A_60 = arith.constant 1 : i32
    %add3A_61 = arith.addi %select_n3A_59, %add3A_60 : i32
    %bitcast_convert_type3A_62 = arith.constant 3.276800e+04 : f32
    %bitcast_convert_type3A_63 = arith.bitcast %bitcast_convert_type3A_62 : f32 to i32
    %convert_element_type3A_64 = arith.sitofp %bitcast_convert_type3A_63 : i32 to f32
    %mul3A_65 = arith.constant 1.1920929E-7 : f32
    %mul3A_66 = arith.mulf %convert_element_type3A_64, %mul3A_65 : f32
    %sub3A_67 = arith.constant 1.270000e+02 : f32
    %sub3A_68 = arith.subf %mul3A_66, %sub3A_67 : f32
    %while3A_69 = arith.constant 1 : i32
    %while3A_70 = arith.constant 8.35314655 : f32
    %while3A_71 = arith.constant 3.270000e+02 : f32
    %while3A_72 = arith.constant 0 : i32
    %while3A_73 = arith.constant -1.000000e+00 : f32
    %while3A_74 = arith.constant 0 : i32
    %while3A_75 = arith.constant 0.000000e+00 : f32
    %while3A_76:7 = scf.while (%while3A_192 = %while3A_72, %while3A_193 = %select_n3A_52, %while3A_194 = %add3A_61, %while3A_195 = %sub3A_68, %while3A_196 = %while3A_73, %while3A_197 = %while3A_74, %while3A_198 = %while3A_75) : (i32, i32, i32, f32, f32, i32, f32) -> (i32, i32, i32, f32, f32, i32, f32) {
      %lt3A_199 = arith.constant 50 : i32
      %lt3A_200 = arith.cmpi slt, %while3A_192, %lt3A_199 : i32
      %eq3A_201 = arith.constant 0 : i32
      %eq3A_202 = arith.cmpi eq, %while3A_197, %eq3A_201 : i32
      %and3A = arith.andi %lt3A_200, %eq3A_202 : i1
      scf.condition(%and3A) %while3A_192, %while3A_193, %while3A_194, %while3A_195, %while3A_196, %while3A_197, %while3A_198 : i32, i32, i32, f32, f32, i32, f32
    } do {
    ^bb0(%while3A_192: i32, %while3A_193: i32, %while3A_194: i32, %while3A_195: f32, %while3A_196: f32, %while3A_197: i32, %while3A_198: f32):
      %lt3A_199 = arith.constant 0 : i32
      %lt3A_200 = arith.cmpi slt, %while3A_193, %lt3A_199 : i32
      %xor3A_201 = arith.constant 2147483647 : i32
      %xor3A_202 = arith.xori %while3A_193, %xor3A_201 : i32
      %select_n3A_203 = arith.select %lt3A_200, %xor3A_202, %while3A_193 : i32
      %bitcast_convert_type3A_204 = arith.bitcast %select_n3A_203 : i32 to f32
      %lt3A_205 = arith.constant 0 : i32
      %lt3A_206 = arith.cmpi slt, %while3A_194, %lt3A_205 : i32
      %xor3A_207 = arith.constant 2147483647 : i32
      %xor3A_208 = arith.xori %while3A_194, %xor3A_207 : i32
      %select_n3A_209 = arith.select %lt3A_206, %xor3A_208, %while3A_194 : i32
      %bitcast_convert_type3A_210 = arith.bitcast %select_n3A_209 : i32 to f32
      %add3A_211 = arith.addi %while3A_193, %while3A_69 : i32
      %eq3A_212 = arith.cmpi eq, %while3A_194, %add3A_211 : i32
      %select_n3A_213 = arith.select %eq3A_212, %bitcast_convert_type3A_204, %while3A_198 : f32
      %select_n3A_214 = arith.select %eq3A_212, %while3A_69, %while3A_197 : i32
      %sub3A_215 = arith.subf %while3A_70, %while3A_196 : f32
      %sub3A_216 = arith.subf %while3A_195, %while3A_196 : f32
      %bitcast_convert_type3A_217 = arith.bitcast %sub3A_216 : f32 to i32
      %sub3A_218 = arith.constant 2129733610 : i32
      %sub3A_219 = arith.subi %sub3A_218, %bitcast_convert_type3A_217 : i32
      %bitcast_convert_type3A_220 = arith.bitcast %sub3A_219 : i32 to f32
      %mul3A_221 = arith.mulf %sub3A_216, %bitcast_convert_type3A_220 : f32
      %sub3A_222 = arith.constant 2.000000e+00 : f32
      %sub3A_223 = arith.subf %sub3A_222, %mul3A_221 : f32
      %mul3A_224 = arith.mulf %bitcast_convert_type3A_220, %sub3A_223 : f32
      %mul3A_225 = arith.mulf %sub3A_216, %mul3A_224 : f32
      %sub3A_226 = arith.constant 2.000000e+00 : f32
      %sub3A_227 = arith.subf %sub3A_226, %mul3A_225 : f32
      %mul3A_228 = arith.mulf %mul3A_224, %sub3A_227 : f32
      %mul3A_229 = arith.mulf %sub3A_216, %mul3A_228 : f32
      %sub3A_230 = arith.constant 2.000000e+00 : f32
      %sub3A_231 = arith.subf %sub3A_230, %mul3A_229 : f32
      %mul3A_232 = arith.mulf %mul3A_228, %sub3A_231 : f32
      %mul3A_233 = arith.mulf %sub3A_215, %mul3A_232 : f32
      %sub3A_234 = arith.subf %bitcast_convert_type3A_204, %bitcast_convert_type3A_210 : f32
      %mul3A_235 = arith.mulf %sub3A_234, %mul3A_233 : f32
      %add3A_236 = arith.addf %bitcast_convert_type3A_210, %mul3A_235 : f32
      %bitcast_convert_type3A_237 = arith.bitcast %add3A_236 : f32 to i32
      %lt3A_238 = arith.constant 0 : i32
      %lt3A_239 = arith.cmpi slt, %bitcast_convert_type3A_237, %lt3A_238 : i32
      %xor3A_240 = arith.constant 2147483647 : i32
      %xor3A_241 = arith.xori %bitcast_convert_type3A_237, %xor3A_240 : i32
      %select_n3A_242 = arith.select %lt3A_239, %xor3A_241, %bitcast_convert_type3A_237 : i32
      %shift_right_arithmetic3A = arith.constant 1 : i32
      %shift_right_arithmetic3A_243 = arith.shrsi %while3A_193, %shift_right_arithmetic3A : i32
      %shift_right_arithmetic3A_244 = arith.constant 1 : i32
      %shift_right_arithmetic3A_245 = arith.shrsi %while3A_194, %shift_right_arithmetic3A_244 : i32
      %add3A_246 = arith.addi %shift_right_arithmetic3A_243, %shift_right_arithmetic3A_245 : i32
      %and3A = arith.andi %while3A_193, %while3A_194 : i32
      %and3A_247 = arith.andi %and3A, %while3A_69 : i32
      %add3A_248 = arith.addi %add3A_246, %and3A_247 : i32
      %lt3A_249 = arith.constant 8 : i32
      %lt3A_250 = arith.cmpi slt, %while3A_192, %lt3A_249 : i32
      %select_n3A_251 = arith.select %lt3A_250, %select_n3A_242, %add3A_248 : i32
      %add3A_252 = arith.addi %while3A_193, %while3A_69 : i32
      %sub3A_253 = arith.subi %while3A_194, %while3A_69 : i32
      %max3A = arith.maxsi %add3A_252, %select_n3A_251 : i32
      %min3A = arith.minsi %sub3A_253, %max3A : i32
      %lt3A_254 = arith.constant 0 : i32
      %lt3A_255 = arith.cmpi slt, %min3A, %lt3A_254 : i32
      %xor3A_256 = arith.constant 2147483647 : i32
      %xor3A_257 = arith.xori %min3A, %xor3A_256 : i32
      %select_n3A_258 = arith.select %lt3A_255, %xor3A_257, %min3A : i32
      %bitcast_convert_type3A_259 = arith.bitcast %select_n3A_258 : i32 to f32
      %broadcast_in_dim3A = arith.constant 0 : i32
      %broadcast_in_dim3A_260 = vector.broadcast %broadcast_in_dim3A : i32 to vector<16xi32>
      %scan3A_261 = arith.constant 0 : i32
      %scan3A_262 = arith.constant 256 : i32
      %scan3A_263 = arith.addi %scan3A_261, %scan3A_262 : i32
      %scan3A_264 = arith.constant 1 : i32
      %scan3A_265 = scf.for %scan3A_295 = %scan3A_261 to %scan3A_263 step %scan3A_264 iter_args(%scan3A_296 = %broadcast_in_dim3A_260) -> (vector<16xi32>)  : i32 {
        %mul3A_297 = arith.constant 128 : i32
        %mul3A_298 = arith.muli %scan3A_295, %mul3A_297 : i32
        %add3A_299 = arith.constant 0 : i32
        %add3A_300 = arith.addi %mul3A_298, %add3A_299 : i32
        %get3A = arith.index_cast %add3A_300 : i32 to index
        %get3A_301 = tpu.vector_load %arg4[%get3A] {strides = array<i32>} : memref<32768xf32, #tpu.memory_space<vmem>>, vector<16xf32>,
        %ge3A_302 = vector.broadcast %bitcast_convert_type3A_259 : f32 to vector<16xf32>
        %ge3A_303 = arith.cmpf oge, %get3A_301, %ge3A_302 : vector<16xf32>
        %jit3A = arith.constant 0 : i32
        %broadcast_in_dim3A_304 = vector.broadcast %while3A_69 : i32 to vector<16xi32>
        %broadcast_in_dim3A_305 = vector.broadcast %jit3A : i32 to vector<16xi32>
        %select_n3A_306 = arith.select %ge3A_303, %broadcast_in_dim3A_304, %broadcast_in_dim3A_305 : vector<16xi1>, vector<16xi32>
        %add3A_307 = arith.addi %scan3A_296, %select_n3A_306 : vector<16xi32>
        %add3A_308 = arith.constant 16 : i32
        %add3A_309 = arith.addi %mul3A_298, %add3A_308 : i32
        %get3A_310 = arith.index_cast %add3A_309 : i32 to index
        %get3A_311 = tpu.vector_load %arg4[%get3A_310] {strides = array<i32>} : memref<32768xf32, #tpu.memory_space<vmem>>, vector<16xf32>,
        %ge3A_312 = vector.broadcast %bitcast_convert_type3A_259 : f32 to vector<16xf32>
        %ge3A_313 = arith.cmpf oge, %get3A_311, %ge3A_312 : vector<16xf32>
        %jit3A_314 = arith.constant 0 : i32
        %broadcast_in_dim3A_315 = vector.broadcast %while3A_69 : i32 to vector<16xi32>
        %broadcast_in_dim3A_316 = vector.broadcast %jit3A_314 : i32 to vector<16xi32>
        %select_n3A_317 = arith.select %ge3A_313, %broadcast_in_dim3A_315, %broadcast_in_dim3A_316 : vector<16xi1>, vector<16xi32>
        %add3A_318 = arith.addi %add3A_307, %select_n3A_317 : vector<16xi32>
        %add3A_319 = arith.constant 32 : i32
        %add3A_320 = arith.addi %mul3A_298, %add3A_319 : i32
        %get3A_321 = arith.index_cast %add3A_320 : i32 to index
        %get3A_322 = tpu.vector_load %arg4[%get3A_321] {strides = array<i32>} : memref<32768xf32, #tpu.memory_space<vmem>>, vector<16xf32>,
        %ge3A_323 = vector.broadcast %bitcast_convert_type3A_259 : f32 to vector<16xf32>
        %ge3A_324 = arith.cmpf oge, %get3A_322, %ge3A_323 : vector<16xf32>
        %jit3A_325 = arith.constant 0 : i32
        %broadcast_in_dim3A_326 = vector.broadcast %while3A_69 : i32 to vector<16xi32>
        %broadcast_in_dim3A_327 = vector.broadcast %jit3A_325 : i32 to vector<16xi32>
        %select_n3A_328 = arith.select %ge3A_324, %broadcast_in_dim3A_326, %broadcast_in_dim3A_327 : vector<16xi1>, vector<16xi32>
        %add3A_329 = arith.addi %add3A_318, %select_n3A_328 : vector<16xi32>
        %add3A_330 = arith.constant 48 : i32
        %add3A_331 = arith.addi %mul3A_298, %add3A_330 : i32
        %get3A_332 = arith.index_cast %add3A_331 : i32 to index
        %get3A_333 = tpu.vector_load %arg4[%get3A_332] {strides = array<i32>} : memref<32768xf32, #tpu.memory_space<vmem>>, vector<16xf32>,
        %ge3A_334 = vector.broadcast %bitcast_convert_type3A_259 : f32 to vector<16xf32>
        %ge3A_335 = arith.cmpf oge, %get3A_333, %ge3A_334 : vector<16xf32>
        %jit3A_336 = arith.constant 0 : i32
        %broadcast_in_dim3A_337 = vector.broadcast %while3A_69 : i32 to vector<16xi32>
        %broadcast_in_dim3A_338 = vector.broadcast %jit3A_336 : i32 to vector<16xi32>
        %select_n3A_339 = arith.select %ge3A_335, %broadcast_in_dim3A_337, %broadcast_in_dim3A_338 : vector<16xi1>, vector<16xi32>
        %add3A_340 = arith.addi %add3A_329, %select_n3A_339 : vector<16xi32>
        %add3A_341 = arith.constant 64 : i32
        %add3A_342 = arith.addi %mul3A_298, %add3A_341 : i32
        %get3A_343 = arith.index_cast %add3A_342 : i32 to index
        %get3A_344 = tpu.vector_load %arg4[%get3A_343] {strides = array<i32>} : memref<32768xf32, #tpu.memory_space<vmem>>, vector<16xf32>,
        %ge3A_345 = vector.broadcast %bitcast_convert_type3A_259 : f32 to vector<16xf32>
        %ge3A_346 = arith.cmpf oge, %get3A_344, %ge3A_345 : vector<16xf32>
        %jit3A_347 = arith.constant 0 : i32
        %broadcast_in_dim3A_348 = vector.broadcast %while3A_69 : i32 to vector<16xi32>
        %broadcast_in_dim3A_349 = vector.broadcast %jit3A_347 : i32 to vector<16xi32>
        %select_n3A_350 = arith.select %ge3A_346, %broadcast_in_dim3A_348, %broadcast_in_dim3A_349 : vector<16xi1>, vector<16xi32>
        %add3A_351 = arith.addi %add3A_340, %select_n3A_350 : vector<16xi32>
        %add3A_352 = arith.constant 80 : i32
        %add3A_353 = arith.addi %mul3A_298, %add3A_352 : i32
        %get3A_354 = arith.index_cast %add3A_353 : i32 to index
        %get3A_355 = tpu.vector_load %arg4[%get3A_354] {strides = array<i32>} : memref<32768xf32, #tpu.memory_space<vmem>>, vector<16xf32>,
        %ge3A_356 = vector.broadcast %bitcast_convert_type3A_259 : f32 to vector<16xf32>
        %ge3A_357 = arith.cmpf oge, %get3A_355, %ge3A_356 : vector<16xf32>
        %jit3A_358 = arith.constant 0 : i32
        %broadcast_in_dim3A_359 = vector.broadcast %while3A_69 : i32 to vector<16xi32>
        %broadcast_in_dim3A_360 = vector.broadcast %jit3A_358 : i32 to vector<16xi32>
        %select_n3A_361 = arith.select %ge3A_357, %broadcast_in_dim3A_359, %broadcast_in_dim3A_360 : vector<16xi1>, vector<16xi32>
        %add3A_362 = arith.addi %add3A_351, %select_n3A_361 : vector<16xi32>
        %add3A_363 = arith.constant 96 : i32
        %add3A_364 = arith.addi %mul3A_298, %add3A_363 : i32
        %get3A_365 = arith.index_cast %add3A_364 : i32 to index
        %get3A_366 = tpu.vector_load %arg4[%get3A_365] {strides = array<i32>} : memref<32768xf32, #tpu.memory_space<vmem>>, vector<16xf32>,
        %ge3A_367 = vector.broadcast %bitcast_convert_type3A_259 : f32 to vector<16xf32>
        %ge3A_368 = arith.cmpf oge, %get3A_366, %ge3A_367 : vector<16xf32>
        %jit3A_369 = arith.constant 0 : i32
        %broadcast_in_dim3A_370 = vector.broadcast %while3A_69 : i32 to vector<16xi32>
        %broadcast_in_dim3A_371 = vector.broadcast %jit3A_369 : i32 to vector<16xi32>
        %select_n3A_372 = arith.select %ge3A_368, %broadcast_in_dim3A_370, %broadcast_in_dim3A_371 : vector<16xi1>, vector<16xi32>
        %add3A_373 = arith.addi %add3A_362, %select_n3A_372 : vector<16xi32>
        %add3A_374 = arith.constant 112 : i32
        %add3A_375 = arith.addi %mul3A_298, %add3A_374 : i32
        %get3A_376 = arith.index_cast %add3A_375 : i32 to index
        %get3A_377 = tpu.vector_load %arg4[%get3A_376] {strides = array<i32>} : memref<32768xf32, #tpu.memory_space<vmem>>, vector<16xf32>,
        %ge3A_378 = vector.broadcast %bitcast_convert_type3A_259 : f32 to vector<16xf32>
        %ge3A_379 = arith.cmpf oge, %get3A_377, %ge3A_378 : vector<16xf32>
        %jit3A_380 = arith.constant 0 : i32
        %broadcast_in_dim3A_381 = vector.broadcast %while3A_69 : i32 to vector<16xi32>
        %broadcast_in_dim3A_382 = vector.broadcast %jit3A_380 : i32 to vector<16xi32>
        %select_n3A_383 = arith.select %ge3A_379, %broadcast_in_dim3A_381, %broadcast_in_dim3A_382 : vector<16xi1>, vector<16xi32>
        %add3A_384 = arith.addi %add3A_373, %select_n3A_383 : vector<16xi32>
        scf.yield %add3A_384 : vector<16xi32>
      }
      %scan3A_266 = arith.constant 256 : i32
      %reduce_sum3A = arith.constant true
      %reduce_sum3A_267 = vector.broadcast %reduce_sum3A : i1 to vector<16xi1>
      %reduce_sum3A_268 = tpu.scan <sum>, %scan3A_265 masked %reduce_sum3A_267 : vector<16xi32>, vector<16xi1> -> vector<16xi32>
      %reduce_sum3A_269 = vector.extract %reduce_sum3A_268[15] : i32 from vector<16xi32>
      %convert_element_type3A_270 = arith.sitofp %reduce_sum3A_269 : i32 to f32
      %eq3A_271 = arith.constant 0 : i32
      %eq3A_272 = arith.cmpi eq, %select_n3A_214, %eq3A_271 : i32
      %eq3A_273 = arith.cmpf oeq, %convert_element_type3A_270, %while3A_71 : f32
      %and3A_274 = arith.andi %eq3A_272, %eq3A_273 : i1
      %select_n3A_275 = arith.select %and3A_274, %bitcast_convert_type3A_259, %select_n3A_213 : f32
      %select_n3A_276 = arith.select %and3A_274, %while3A_69, %select_n3A_214 : i32
      %max3A_277 = arith.constant 5.000000e-01 : f32
      %max3A_278 = arith.maximumf %convert_element_type3A_270, %max3A_277 : f32
      %bitcast_convert_type3A_279 = arith.bitcast %max3A_278 : f32 to i32
      %convert_element_type3A_280 = arith.sitofp %bitcast_convert_type3A_279 : i32 to f32
      %mul3A_281 = arith.constant 1.1920929E-7 : f32
      %mul3A_282 = arith.mulf %convert_element_type3A_280, %mul3A_281 : f32
      %sub3A_283 = arith.constant 1.270000e+02 : f32
      %sub3A_284 = arith.subf %mul3A_282, %sub3A_283 : f32
      %eq3A_285 = arith.constant 0 : i32
      %eq3A_286 = arith.cmpi eq, %select_n3A_276, %eq3A_285 : i32
      %ge3A = arith.cmpf oge, %convert_element_type3A_270, %while3A_71 : f32
      %and3A_287 = arith.andi %eq3A_286, %ge3A : i1
      %lt3A_288 = arith.cmpf olt, %convert_element_type3A_270, %while3A_71 : f32
      %and3A_289 = arith.andi %eq3A_286, %lt3A_288 : i1
      %select_n3A_290 = arith.select %and3A_287, %min3A, %while3A_193 : i32
      %select_n3A_291 = arith.select %and3A_287, %sub3A_284, %while3A_195 : f32
      %select_n3A_292 = arith.select %and3A_289, %min3A, %while3A_194 : i32
      %select_n3A_293 = arith.select %and3A_289, %sub3A_284, %while3A_196 : f32
      %add3A_294 = arith.addi %while3A_192, %while3A_69 : i32
      scf.yield %add3A_294, %select_n3A_290, %select_n3A_292, %select_n3A_291, %select_n3A_293, %select_n3A_276, %select_n3A_275 : i32, i32, i32, f32, f32, i32, f32
    }
    %eq3A_77 = arith.constant 0 : i32
    %eq3A_78 = arith.cmpi eq, %while3A_76#5, %eq3A_77 : i32
    %lt3A_79 = arith.constant 0 : i32
    %lt3A_80 = arith.cmpi slt, %while3A_76#1, %lt3A_79 : i32
    %xor3A_81 = arith.constant 2147483647 : i32
    %xor3A_82 = arith.xori %while3A_76#1, %xor3A_81 : i32
    %select_n3A_83 = arith.select %lt3A_80, %xor3A_82, %while3A_76#1 : i32
    %bitcast_convert_type3A_84 = arith.bitcast %select_n3A_83 : i32 to f32
    %select_n3A_85 = arith.select %eq3A_78, %bitcast_convert_type3A_84, %while3A_76#6 : f32
    %scan3A_86 = arith.constant 0 : i32
    %scan3A_87 = arith.constant 0 : i32
    %scan3A_88 = arith.constant 256 : i32
    %scan3A_89 = arith.addi %scan3A_87, %scan3A_88 : i32
    %scan3A_90 = arith.constant 1 : i32
    scf.for %scan3A_192 = %scan3A_87 to %scan3A_89 step %scan3A_90  : i32 {
      %mul3A_193 = arith.constant 128 : i32
      %mul3A_194 = arith.muli %scan3A_192, %mul3A_193 : i32
      %add3A_195 = arith.constant 0 : i32
      %add3A_196 = arith.addi %mul3A_194, %add3A_195 : i32
      %get3A = arith.index_cast %add3A_196 : i32 to index
      %get3A_197 = tpu.vector_load %arg4[%get3A] {strides = array<i32>} : memref<32768xf32, #tpu.memory_space<vmem>>, vector<16xf32>,
      %ge3A = vector.broadcast %select_n3A_85 : f32 to vector<16xf32>
      %ge3A_198 = arith.cmpf oge, %get3A_197, %ge3A : vector<16xf32>
      %jit3A = arith.constant 0.000000e+00 : f32
      %broadcast_in_dim3A = vector.broadcast %jit3A : f32 to vector<16xf32>
      %select_n3A_199 = arith.select %ge3A_198, %get3A_197, %broadcast_in_dim3A : vector<16xi1>, vector<16xf32>
      %add3A_200 = arith.constant 0 : i32
      %add3A_201 = arith.addi %mul3A_194, %add3A_200 : i32
      %swap3A = arith.index_cast %add3A_201 : i32 to index
      %swap3A_202 = tpu.vector_load %arg4[%swap3A] {strides = array<i32>} : memref<32768xf32, #tpu.memory_space<vmem>>, vector<16xf32>,
      tpu.vector_store %arg4[%swap3A], %select_n3A_199 {strides = array<i32>} : memref<32768xf32, #tpu.memory_space<vmem>>, vector<16xf32>,
      %add3A_203 = arith.constant 16 : i32
      %add3A_204 = arith.addi %mul3A_194, %add3A_203 : i32
      %get3A_205 = arith.index_cast %add3A_204 : i32 to index
      %get3A_206 = tpu.vector_load %arg4[%get3A_205] {strides = array<i32>} : memref<32768xf32, #tpu.memory_space<vmem>>, vector<16xf32>,
      %ge3A_207 = vector.broadcast %select_n3A_85 : f32 to vector<16xf32>
      %ge3A_208 = arith.cmpf oge, %get3A_206, %ge3A_207 : vector<16xf32>
      %jit3A_209 = arith.constant 0.000000e+00 : f32
      %broadcast_in_dim3A_210 = vector.broadcast %jit3A_209 : f32 to vector<16xf32>
      %select_n3A_211 = arith.select %ge3A_208, %get3A_206, %broadcast_in_dim3A_210 : vector<16xi1>, vector<16xf32>
      %add3A_212 = arith.constant 16 : i32
      %add3A_213 = arith.addi %mul3A_194, %add3A_212 : i32
      %swap3A_214 = arith.index_cast %add3A_213 : i32 to index
      %swap3A_215 = tpu.vector_load %arg4[%swap3A_214] {strides = array<i32>} : memref<32768xf32, #tpu.memory_space<vmem>>, vector<16xf32>,
      tpu.vector_store %arg4[%swap3A_214], %select_n3A_211 {strides = array<i32>} : memref<32768xf32, #tpu.memory_space<vmem>>, vector<16xf32>,
      %add3A_216 = arith.constant 32 : i32
      %add3A_217 = arith.addi %mul3A_194, %add3A_216 : i32
      %get3A_218 = arith.index_cast %add3A_217 : i32 to index
      %get3A_219 = tpu.vector_load %arg4[%get3A_218] {strides = array<i32>} : memref<32768xf32, #tpu.memory_space<vmem>>, vector<16xf32>,
      %ge3A_220 = vector.broadcast %select_n3A_85 : f32 to vector<16xf32>
      %ge3A_221 = arith.cmpf oge, %get3A_219, %ge3A_220 : vector<16xf32>
      %jit3A_222 = arith.constant 0.000000e+00 : f32
      %broadcast_in_dim3A_223 = vector.broadcast %jit3A_222 : f32 to vector<16xf32>
      %select_n3A_224 = arith.select %ge3A_221, %get3A_219, %broadcast_in_dim3A_223 : vector<16xi1>, vector<16xf32>
      %add3A_225 = arith.constant 32 : i32
      %add3A_226 = arith.addi %mul3A_194, %add3A_225 : i32
      %swap3A_227 = arith.index_cast %add3A_226 : i32 to index
      %swap3A_228 = tpu.vector_load %arg4[%swap3A_227] {strides = array<i32>} : memref<32768xf32, #tpu.memory_space<vmem>>, vector<16xf32>,
      tpu.vector_store %arg4[%swap3A_227], %select_n3A_224 {strides = array<i32>} : memref<32768xf32, #tpu.memory_space<vmem>>, vector<16xf32>,
      %add3A_229 = arith.constant 48 : i32
      %add3A_230 = arith.addi %mul3A_194, %add3A_229 : i32
      %get3A_231 = arith.index_cast %add3A_230 : i32 to index
      %get3A_232 = tpu.vector_load %arg4[%get3A_231] {strides = array<i32>} : memref<32768xf32, #tpu.memory_space<vmem>>, vector<16xf32>,
      %ge3A_233 = vector.broadcast %select_n3A_85 : f32 to vector<16xf32>
      %ge3A_234 = arith.cmpf oge, %get3A_232, %ge3A_233 : vector<16xf32>
      %jit3A_235 = arith.constant 0.000000e+00 : f32
      %broadcast_in_dim3A_236 = vector.broadcast %jit3A_235 : f32 to vector<16xf32>
      %select_n3A_237 = arith.select %ge3A_234, %get3A_232, %broadcast_in_dim3A_236 : vector<16xi1>, vector<16xf32>
      %add3A_238 = arith.constant 48 : i32
      %add3A_239 = arith.addi %mul3A_194, %add3A_238 : i32
      %swap3A_240 = arith.index_cast %add3A_239 : i32 to index
      %swap3A_241 = tpu.vector_load %arg4[%swap3A_240] {strides = array<i32>} : memref<32768xf32, #tpu.memory_space<vmem>>, vector<16xf32>,
      tpu.vector_store %arg4[%swap3A_240], %select_n3A_237 {strides = array<i32>} : memref<32768xf32, #tpu.memory_space<vmem>>, vector<16xf32>,
      %add3A_242 = arith.constant 64 : i32
      %add3A_243 = arith.addi %mul3A_194, %add3A_242 : i32
      %get3A_244 = arith.index_cast %add3A_243 : i32 to index
      %get3A_245 = tpu.vector_load %arg4[%get3A_244] {strides = array<i32>} : memref<32768xf32, #tpu.memory_space<vmem>>, vector<16xf32>,
      %ge3A_246 = vector.broadcast %select_n3A_85 : f32 to vector<16xf32>
      %ge3A_247 = arith.cmpf oge, %get3A_245, %ge3A_246 : vector<16xf32>
      %jit3A_248 = arith.constant 0.000000e+00 : f32
      %broadcast_in_dim3A_249 = vector.broadcast %jit3A_248 : f32 to vector<16xf32>
      %select_n3A_250 = arith.select %ge3A_247, %get3A_245, %broadcast_in_dim3A_249 : vector<16xi1>, vector<16xf32>
      %add3A_251 = arith.constant 64 : i32
      %add3A_252 = arith.addi %mul3A_194, %add3A_251 : i32
      %swap3A_253 = arith.index_cast %add3A_252 : i32 to index
      %swap3A_254 = tpu.vector_load %arg4[%swap3A_253] {strides = array<i32>} : memref<32768xf32, #tpu.memory_space<vmem>>, vector<16xf32>,
      tpu.vector_store %arg4[%swap3A_253], %select_n3A_250 {strides = array<i32>} : memref<32768xf32, #tpu.memory_space<vmem>>, vector<16xf32>,
      %add3A_255 = arith.constant 80 : i32
      %add3A_256 = arith.addi %mul3A_194, %add3A_255 : i32
      %get3A_257 = arith.index_cast %add3A_256 : i32 to index
      %get3A_258 = tpu.vector_load %arg4[%get3A_257] {strides = array<i32>} : memref<32768xf32, #tpu.memory_space<vmem>>, vector<16xf32>,
      %ge3A_259 = vector.broadcast %select_n3A_85 : f32 to vector<16xf32>
      %ge3A_260 = arith.cmpf oge, %get3A_258, %ge3A_259 : vector<16xf32>
      %jit3A_261 = arith.constant 0.000000e+00 : f32
      %broadcast_in_dim3A_262 = vector.broadcast %jit3A_261 : f32 to vector<16xf32>
      %select_n3A_263 = arith.select %ge3A_260, %get3A_258, %broadcast_in_dim3A_262 : vector<16xi1>, vector<16xf32>
      %add3A_264 = arith.constant 80 : i32
      %add3A_265 = arith.addi %mul3A_194, %add3A_264 : i32
      %swap3A_266 = arith.index_cast %add3A_265 : i32 to index
      %swap3A_267 = tpu.vector_load %arg4[%swap3A_266] {strides = array<i32>} : memref<32768xf32, #tpu.memory_space<vmem>>, vector<16xf32>,
      tpu.vector_store %arg4[%swap3A_266], %select_n3A_263 {strides = array<i32>} : memref<32768xf32, #tpu.memory_space<vmem>>, vector<16xf32>,
      %add3A_268 = arith.constant 96 : i32
      %add3A_269 = arith.addi %mul3A_194, %add3A_268 : i32
      %get3A_270 = arith.index_cast %add3A_269 : i32 to index
      %get3A_271 = tpu.vector_load %arg4[%get3A_270] {strides = array<i32>} : memref<32768xf32, #tpu.memory_space<vmem>>, vector<16xf32>,
      %ge3A_272 = vector.broadcast %select_n3A_85 : f32 to vector<16xf32>
      %ge3A_273 = arith.cmpf oge, %get3A_271, %ge3A_272 : vector<16xf32>
      %jit3A_274 = arith.constant 0.000000e+00 : f32
      %broadcast_in_dim3A_275 = vector.broadcast %jit3A_274 : f32 to vector<16xf32>
      %select_n3A_276 = arith.select %ge3A_273, %get3A_271, %broadcast_in_dim3A_275 : vector<16xi1>, vector<16xf32>
      %add3A_277 = arith.constant 96 : i32
      %add3A_278 = arith.addi %mul3A_194, %add3A_277 : i32
      %swap3A_279 = arith.index_cast %add3A_278 : i32 to index
      %swap3A_280 = tpu.vector_load %arg4[%swap3A_279] {strides = array<i32>} : memref<32768xf32, #tpu.memory_space<vmem>>, vector<16xf32>,
      tpu.vector_store %arg4[%swap3A_279], %select_n3A_276 {strides = array<i32>} : memref<32768xf32, #tpu.memory_space<vmem>>, vector<16xf32>,
      %add3A_281 = arith.constant 112 : i32
      %add3A_282 = arith.addi %mul3A_194, %add3A_281 : i32
      %get3A_283 = arith.index_cast %add3A_282 : i32 to index
      %get3A_284 = tpu.vector_load %arg4[%get3A_283] {strides = array<i32>} : memref<32768xf32, #tpu.memory_space<vmem>>, vector<16xf32>,
      %ge3A_285 = vector.broadcast %select_n3A_85 : f32 to vector<16xf32>
      %ge3A_286 = arith.cmpf oge, %get3A_284, %ge3A_285 : vector<16xf32>
      %jit3A_287 = arith.constant 0.000000e+00 : f32
      %broadcast_in_dim3A_288 = vector.broadcast %jit3A_287 : f32 to vector<16xf32>
      %select_n3A_289 = arith.select %ge3A_286, %get3A_284, %broadcast_in_dim3A_288 : vector<16xi1>, vector<16xf32>
      %add3A_290 = arith.constant 112 : i32
      %add3A_291 = arith.addi %mul3A_194, %add3A_290 : i32
      %swap3A_292 = arith.index_cast %add3A_291 : i32 to index
      %swap3A_293 = tpu.vector_load %arg4[%swap3A_292] {strides = array<i32>} : memref<32768xf32, #tpu.memory_space<vmem>>, vector<16xf32>,
      tpu.vector_store %arg4[%swap3A_292], %select_n3A_289 {strides = array<i32>} : memref<32768xf32, #tpu.memory_space<vmem>>, vector<16xf32>,
    }
    %scan3A_91 = arith.constant 256 : i32
    "tpu.region"() ({
      %run_scoped3A = tpu.sem_alloc : memref<!tpu.dma_semaphore, #tpu.memory_space<semaphore_mem>>
      %dma_start3A = arith.constant 0 : i32
      %dma_start3A_192 = tpu.memref_slice %arg3[%add3A_45, %dma_start3A] : memref<128x32768xf32, #tpu.memory_space<hbm>> -> memref<1x32768xf32, #tpu.memory_space<hbm>>
      %dma_start3A_193 = tpu.memref_squeeze %dma_start3A_192 : memref<1x32768xf32, #tpu.memory_space<hbm>> -> memref<32768xf32, #tpu.memory_space<hbm>>
      %dma_start3A_194 = arith.constant 0 : i32
      %dma_start3A_195 = tpu.memref_slice %arg3[%add3A_45, %dma_start3A_194] : memref<128x32768xf32, #tpu.memory_space<hbm>> -> memref<1x32768xf32, #tpu.memory_space<hbm>>
      %dma_start3A_196 = tpu.memref_squeeze %dma_start3A_195 : memref<1x32768xf32, #tpu.memory_space<hbm>> -> memref<32768xf32, #tpu.memory_space<hbm>>
      tpu.enqueue_dma source(%arg4 : memref<32768xf32, #tpu.memory_space<vmem>>) target(%dma_start3A_196 : memref<32768xf32, #tpu.memory_space<hbm>>) target_semaphore(%run_scoped3A : memref<!tpu.dma_semaphore, #tpu.memory_space<semaphore_mem>>)
      %dma_wait3A = arith.constant 0 : i32
      %dma_wait3A_197 = tpu.memref_slice %arg3[%add3A_45, %dma_wait3A] : memref<128x32768xf32, #tpu.memory_space<hbm>> -> memref<1x32768xf32, #tpu.memory_space<hbm>>
      %dma_wait3A_198 = tpu.memref_squeeze %dma_wait3A_197 : memref<1x32768xf32, #tpu.memory_space<hbm>> -> memref<32768xf32, #tpu.memory_space<hbm>>
      %dma_wait3A_199 = arith.constant 0 : i32
      %dma_wait3A_200 = tpu.memref_slice %arg3[%add3A_45, %dma_wait3A_199] : memref<128x32768xf32, #tpu.memory_space<hbm>> -> memref<1x32768xf32, #tpu.memory_space<hbm>>
      %dma_wait3A_201 = tpu.memref_squeeze %dma_wait3A_200 : memref<1x32768xf32, #tpu.memory_space<hbm>> -> memref<32768xf32, #tpu.memory_space<hbm>>
      tpu.wait_dma2 semaphore(%run_scoped3A : memref<!tpu.dma_semaphore, #tpu.memory_space<semaphore_mem>>) src(%arg4 : memref<32768xf32, #tpu.memory_space<vmem>>) dst(%dma_wait3A_201 : memref<32768xf32, #tpu.memory_space<hbm>>)
      tpu.yield
    }) : () -> ()
    %mul3A_92 = arith.constant 4 : i32
    %mul3A_93 = arith.muli %add3A, %mul3A_92 : i32
    %add3A_94 = arith.constant 2 : i32
    %add3A_95 = arith.addi %mul3A_93, %add3A_94 : i32
    "tpu.region"() ({
      %run_scoped3A = tpu.sem_alloc : memref<!tpu.dma_semaphore, #tpu.memory_space<semaphore_mem>>
      %dma_start3A = arith.constant 0 : i32
      %dma_start3A_192 = tpu.memref_slice %arg2[%add3A_95, %dma_start3A] : memref<128x32768xf32, #tpu.memory_space<hbm>> -> memref<1x32768xf32, #tpu.memory_space<hbm>>
      %dma_start3A_193 = tpu.memref_squeeze %dma_start3A_192 : memref<1x32768xf32, #tpu.memory_space<hbm>> -> memref<32768xf32, #tpu.memory_space<hbm>>
      %dma_start3A_194 = arith.constant 0 : i32
      %dma_start3A_195 = tpu.memref_slice %arg2[%add3A_95, %dma_start3A_194] : memref<128x32768xf32, #tpu.memory_space<hbm>> -> memref<1x32768xf32, #tpu.memory_space<hbm>>
      %dma_start3A_196 = tpu.memref_squeeze %dma_start3A_195 : memref<1x32768xf32, #tpu.memory_space<hbm>> -> memref<32768xf32, #tpu.memory_space<hbm>>
      tpu.enqueue_dma source(%dma_start3A_196 : memref<32768xf32, #tpu.memory_space<hbm>>) target(%arg4 : memref<32768xf32, #tpu.memory_space<vmem>>) target_semaphore(%run_scoped3A : memref<!tpu.dma_semaphore, #tpu.memory_space<semaphore_mem>>)
      %dma_wait3A = arith.constant 0 : i32
      %dma_wait3A_197 = tpu.memref_slice %arg2[%add3A_95, %dma_wait3A] : memref<128x32768xf32, #tpu.memory_space<hbm>> -> memref<1x32768xf32, #tpu.memory_space<hbm>>
      %dma_wait3A_198 = tpu.memref_squeeze %dma_wait3A_197 : memref<1x32768xf32, #tpu.memory_space<hbm>> -> memref<32768xf32, #tpu.memory_space<hbm>>
      %dma_wait3A_199 = arith.constant 0 : i32
      %dma_wait3A_200 = tpu.memref_slice %arg2[%add3A_95, %dma_wait3A_199] : memref<128x32768xf32, #tpu.memory_space<hbm>> -> memref<1x32768xf32, #tpu.memory_space<hbm>>
      %dma_wait3A_201 = tpu.memref_squeeze %dma_wait3A_200 : memref<1x32768xf32, #tpu.memory_space<hbm>> -> memref<32768xf32, #tpu.memory_space<hbm>>
      tpu.wait_dma2 semaphore(%run_scoped3A : memref<!tpu.dma_semaphore, #tpu.memory_space<semaphore_mem>>) src(%dma_wait3A_201 : memref<32768xf32, #tpu.memory_space<hbm>>) dst(%arg4 : memref<32768xf32, #tpu.memory_space<vmem>>)
      tpu.yield
    }) : () -> ()
    %bitcast_convert_type3A_96 = arith.constant 0xFF800000 : f32
    %bitcast_convert_type3A_97 = arith.bitcast %bitcast_convert_type3A_96 : f32 to i32
    %lt3A_98 = arith.constant 0 : i32
    %lt3A_99 = arith.cmpi slt, %bitcast_convert_type3A_97, %lt3A_98 : i32
    %xor3A_100 = arith.constant 2147483647 : i32
    %xor3A_101 = arith.xori %bitcast_convert_type3A_97, %xor3A_100 : i32
    %select_n3A_102 = arith.select %lt3A_99, %xor3A_101, %bitcast_convert_type3A_97 : i32
    %bitcast_convert_type3A_103 = arith.constant 0x7F800000 : f32
    %bitcast_convert_type3A_104 = arith.bitcast %bitcast_convert_type3A_103 : f32 to i32
    %lt3A_105 = arith.constant 0 : i32
    %lt3A_106 = arith.cmpi slt, %bitcast_convert_type3A_104, %lt3A_105 : i32
    %xor3A_107 = arith.constant 2147483647 : i32
    %xor3A_108 = arith.xori %bitcast_convert_type3A_104, %xor3A_107 : i32
    %select_n3A_109 = arith.select %lt3A_106, %xor3A_108, %bitcast_convert_type3A_104 : i32
    %add3A_110 = arith.constant 1 : i32
    %add3A_111 = arith.addi %select_n3A_109, %add3A_110 : i32
    %bitcast_convert_type3A_112 = arith.constant 3.276800e+04 : f32
    %bitcast_convert_type3A_113 = arith.bitcast %bitcast_convert_type3A_112 : f32 to i32
    %convert_element_type3A_114 = arith.sitofp %bitcast_convert_type3A_113 : i32 to f32
    %mul3A_115 = arith.constant 1.1920929E-7 : f32
    %mul3A_116 = arith.mulf %convert_element_type3A_114, %mul3A_115 : f32
    %sub3A_117 = arith.constant 1.270000e+02 : f32
    %sub3A_118 = arith.subf %mul3A_116, %sub3A_117 : f32
    %while3A_119 = arith.constant 1 : i32
    %while3A_120 = arith.constant 8.35314655 : f32
    %while3A_121 = arith.constant 3.270000e+02 : f32
    %while3A_122 = arith.constant 0 : i32
    %while3A_123 = arith.constant -1.000000e+00 : f32
    %while3A_124 = arith.constant 0 : i32
    %while3A_125 = arith.constant 0.000000e+00 : f32
    %while3A_126:7 = scf.while (%while3A_192 = %while3A_122, %while3A_193 = %select_n3A_102, %while3A_194 = %add3A_111, %while3A_195 = %sub3A_118, %while3A_196 = %while3A_123, %while3A_197 = %while3A_124, %while3A_198 = %while3A_125) : (i32, i32, i32, f32, f32, i32, f32) -> (i32, i32, i32, f32, f32, i32, f32) {
      %lt3A_199 = arith.constant 50 : i32
      %lt3A_200 = arith.cmpi slt, %while3A_192, %lt3A_199 : i32
      %eq3A_201 = arith.constant 0 : i32
      %eq3A_202 = arith.cmpi eq, %while3A_197, %eq3A_201 : i32
      %and3A = arith.andi %lt3A_200, %eq3A_202 : i1
      scf.condition(%and3A) %while3A_192, %while3A_193, %while3A_194, %while3A_195, %while3A_196, %while3A_197, %while3A_198 : i32, i32, i32, f32, f32, i32, f32
    } do {
    ^bb0(%while3A_192: i32, %while3A_193: i32, %while3A_194: i32, %while3A_195: f32, %while3A_196: f32, %while3A_197: i32, %while3A_198: f32):
      %lt3A_199 = arith.constant 0 : i32
      %lt3A_200 = arith.cmpi slt, %while3A_193, %lt3A_199 : i32
      %xor3A_201 = arith.constant 2147483647 : i32
      %xor3A_202 = arith.xori %while3A_193, %xor3A_201 : i32
      %select_n3A_203 = arith.select %lt3A_200, %xor3A_202, %while3A_193 : i32
      %bitcast_convert_type3A_204 = arith.bitcast %select_n3A_203 : i32 to f32
      %lt3A_205 = arith.constant 0 : i32
      %lt3A_206 = arith.cmpi slt, %while3A_194, %lt3A_205 : i32
      %xor3A_207 = arith.constant 2147483647 : i32
      %xor3A_208 = arith.xori %while3A_194, %xor3A_207 : i32
      %select_n3A_209 = arith.select %lt3A_206, %xor3A_208, %while3A_194 : i32
      %bitcast_convert_type3A_210 = arith.bitcast %select_n3A_209 : i32 to f32
      %add3A_211 = arith.addi %while3A_193, %while3A_119 : i32
      %eq3A_212 = arith.cmpi eq, %while3A_194, %add3A_211 : i32
      %select_n3A_213 = arith.select %eq3A_212, %bitcast_convert_type3A_204, %while3A_198 : f32
      %select_n3A_214 = arith.select %eq3A_212, %while3A_119, %while3A_197 : i32
      %sub3A_215 = arith.subf %while3A_120, %while3A_196 : f32
      %sub3A_216 = arith.subf %while3A_195, %while3A_196 : f32
      %bitcast_convert_type3A_217 = arith.bitcast %sub3A_216 : f32 to i32
      %sub3A_218 = arith.constant 2129733610 : i32
      %sub3A_219 = arith.subi %sub3A_218, %bitcast_convert_type3A_217 : i32
      %bitcast_convert_type3A_220 = arith.bitcast %sub3A_219 : i32 to f32
      %mul3A_221 = arith.mulf %sub3A_216, %bitcast_convert_type3A_220 : f32
      %sub3A_222 = arith.constant 2.000000e+00 : f32
      %sub3A_223 = arith.subf %sub3A_222, %mul3A_221 : f32
      %mul3A_224 = arith.mulf %bitcast_convert_type3A_220, %sub3A_223 : f32
      %mul3A_225 = arith.mulf %sub3A_216, %mul3A_224 : f32
      %sub3A_226 = arith.constant 2.000000e+00 : f32
      %sub3A_227 = arith.subf %sub3A_226, %mul3A_225 : f32
      %mul3A_228 = arith.mulf %mul3A_224, %sub3A_227 : f32
      %mul3A_229 = arith.mulf %sub3A_216, %mul3A_228 : f32
      %sub3A_230 = arith.constant 2.000000e+00 : f32
      %sub3A_231 = arith.subf %sub3A_230, %mul3A_229 : f32
      %mul3A_232 = arith.mulf %mul3A_228, %sub3A_231 : f32
      %mul3A_233 = arith.mulf %sub3A_215, %mul3A_232 : f32
      %sub3A_234 = arith.subf %bitcast_convert_type3A_204, %bitcast_convert_type3A_210 : f32
      %mul3A_235 = arith.mulf %sub3A_234, %mul3A_233 : f32
      %add3A_236 = arith.addf %bitcast_convert_type3A_210, %mul3A_235 : f32
      %bitcast_convert_type3A_237 = arith.bitcast %add3A_236 : f32 to i32
      %lt3A_238 = arith.constant 0 : i32
      %lt3A_239 = arith.cmpi slt, %bitcast_convert_type3A_237, %lt3A_238 : i32
      %xor3A_240 = arith.constant 2147483647 : i32
      %xor3A_241 = arith.xori %bitcast_convert_type3A_237, %xor3A_240 : i32
      %select_n3A_242 = arith.select %lt3A_239, %xor3A_241, %bitcast_convert_type3A_237 : i32
      %shift_right_arithmetic3A = arith.constant 1 : i32
      %shift_right_arithmetic3A_243 = arith.shrsi %while3A_193, %shift_right_arithmetic3A : i32
      %shift_right_arithmetic3A_244 = arith.constant 1 : i32
      %shift_right_arithmetic3A_245 = arith.shrsi %while3A_194, %shift_right_arithmetic3A_244 : i32
      %add3A_246 = arith.addi %shift_right_arithmetic3A_243, %shift_right_arithmetic3A_245 : i32
      %and3A = arith.andi %while3A_193, %while3A_194 : i32
      %and3A_247 = arith.andi %and3A, %while3A_119 : i32
      %add3A_248 = arith.addi %add3A_246, %and3A_247 : i32
      %lt3A_249 = arith.constant 8 : i32
      %lt3A_250 = arith.cmpi slt, %while3A_192, %lt3A_249 : i32
      %select_n3A_251 = arith.select %lt3A_250, %select_n3A_242, %add3A_248 : i32
      %add3A_252 = arith.addi %while3A_193, %while3A_119 : i32
      %sub3A_253 = arith.subi %while3A_194, %while3A_119 : i32
      %max3A = arith.maxsi %add3A_252, %select_n3A_251 : i32
      %min3A = arith.minsi %sub3A_253, %max3A : i32
      %lt3A_254 = arith.constant 0 : i32
      %lt3A_255 = arith.cmpi slt, %min3A, %lt3A_254 : i32
      %xor3A_256 = arith.constant 2147483647 : i32
      %xor3A_257 = arith.xori %min3A, %xor3A_256 : i32
      %select_n3A_258 = arith.select %lt3A_255, %xor3A_257, %min3A : i32
      %bitcast_convert_type3A_259 = arith.bitcast %select_n3A_258 : i32 to f32
      %broadcast_in_dim3A = arith.constant 0 : i32
      %broadcast_in_dim3A_260 = vector.broadcast %broadcast_in_dim3A : i32 to vector<16xi32>
      %scan3A_261 = arith.constant 0 : i32
      %scan3A_262 = arith.constant 256 : i32
      %scan3A_263 = arith.addi %scan3A_261, %scan3A_262 : i32
      %scan3A_264 = arith.constant 1 : i32
      %scan3A_265 = scf.for %scan3A_295 = %scan3A_261 to %scan3A_263 step %scan3A_264 iter_args(%scan3A_296 = %broadcast_in_dim3A_260) -> (vector<16xi32>)  : i32 {
        %mul3A_297 = arith.constant 128 : i32
        %mul3A_298 = arith.muli %scan3A_295, %mul3A_297 : i32
        %add3A_299 = arith.constant 0 : i32
        %add3A_300 = arith.addi %mul3A_298, %add3A_299 : i32
        %get3A = arith.index_cast %add3A_300 : i32 to index
        %get3A_301 = tpu.vector_load %arg4[%get3A] {strides = array<i32>} : memref<32768xf32, #tpu.memory_space<vmem>>, vector<16xf32>,
        %ge3A_302 = vector.broadcast %bitcast_convert_type3A_259 : f32 to vector<16xf32>
        %ge3A_303 = arith.cmpf oge, %get3A_301, %ge3A_302 : vector<16xf32>
        %jit3A = arith.constant 0 : i32
        %broadcast_in_dim3A_304 = vector.broadcast %while3A_119 : i32 to vector<16xi32>
        %broadcast_in_dim3A_305 = vector.broadcast %jit3A : i32 to vector<16xi32>
        %select_n3A_306 = arith.select %ge3A_303, %broadcast_in_dim3A_304, %broadcast_in_dim3A_305 : vector<16xi1>, vector<16xi32>
        %add3A_307 = arith.addi %scan3A_296, %select_n3A_306 : vector<16xi32>
        %add3A_308 = arith.constant 16 : i32
        %add3A_309 = arith.addi %mul3A_298, %add3A_308 : i32
        %get3A_310 = arith.index_cast %add3A_309 : i32 to index
        %get3A_311 = tpu.vector_load %arg4[%get3A_310] {strides = array<i32>} : memref<32768xf32, #tpu.memory_space<vmem>>, vector<16xf32>,
        %ge3A_312 = vector.broadcast %bitcast_convert_type3A_259 : f32 to vector<16xf32>
        %ge3A_313 = arith.cmpf oge, %get3A_311, %ge3A_312 : vector<16xf32>
        %jit3A_314 = arith.constant 0 : i32
        %broadcast_in_dim3A_315 = vector.broadcast %while3A_119 : i32 to vector<16xi32>
        %broadcast_in_dim3A_316 = vector.broadcast %jit3A_314 : i32 to vector<16xi32>
        %select_n3A_317 = arith.select %ge3A_313, %broadcast_in_dim3A_315, %broadcast_in_dim3A_316 : vector<16xi1>, vector<16xi32>
        %add3A_318 = arith.addi %add3A_307, %select_n3A_317 : vector<16xi32>
        %add3A_319 = arith.constant 32 : i32
        %add3A_320 = arith.addi %mul3A_298, %add3A_319 : i32
        %get3A_321 = arith.index_cast %add3A_320 : i32 to index
        %get3A_322 = tpu.vector_load %arg4[%get3A_321] {strides = array<i32>} : memref<32768xf32, #tpu.memory_space<vmem>>, vector<16xf32>,
        %ge3A_323 = vector.broadcast %bitcast_convert_type3A_259 : f32 to vector<16xf32>
        %ge3A_324 = arith.cmpf oge, %get3A_322, %ge3A_323 : vector<16xf32>
        %jit3A_325 = arith.constant 0 : i32
        %broadcast_in_dim3A_326 = vector.broadcast %while3A_119 : i32 to vector<16xi32>
        %broadcast_in_dim3A_327 = vector.broadcast %jit3A_325 : i32 to vector<16xi32>
        %select_n3A_328 = arith.select %ge3A_324, %broadcast_in_dim3A_326, %broadcast_in_dim3A_327 : vector<16xi1>, vector<16xi32>
        %add3A_329 = arith.addi %add3A_318, %select_n3A_328 : vector<16xi32>
        %add3A_330 = arith.constant 48 : i32
        %add3A_331 = arith.addi %mul3A_298, %add3A_330 : i32
        %get3A_332 = arith.index_cast %add3A_331 : i32 to index
        %get3A_333 = tpu.vector_load %arg4[%get3A_332] {strides = array<i32>} : memref<32768xf32, #tpu.memory_space<vmem>>, vector<16xf32>,
        %ge3A_334 = vector.broadcast %bitcast_convert_type3A_259 : f32 to vector<16xf32>
        %ge3A_335 = arith.cmpf oge, %get3A_333, %ge3A_334 : vector<16xf32>
        %jit3A_336 = arith.constant 0 : i32
        %broadcast_in_dim3A_337 = vector.broadcast %while3A_119 : i32 to vector<16xi32>
        %broadcast_in_dim3A_338 = vector.broadcast %jit3A_336 : i32 to vector<16xi32>
        %select_n3A_339 = arith.select %ge3A_335, %broadcast_in_dim3A_337, %broadcast_in_dim3A_338 : vector<16xi1>, vector<16xi32>
        %add3A_340 = arith.addi %add3A_329, %select_n3A_339 : vector<16xi32>
        %add3A_341 = arith.constant 64 : i32
        %add3A_342 = arith.addi %mul3A_298, %add3A_341 : i32
        %get3A_343 = arith.index_cast %add3A_342 : i32 to index
        %get3A_344 = tpu.vector_load %arg4[%get3A_343] {strides = array<i32>} : memref<32768xf32, #tpu.memory_space<vmem>>, vector<16xf32>,
        %ge3A_345 = vector.broadcast %bitcast_convert_type3A_259 : f32 to vector<16xf32>
        %ge3A_346 = arith.cmpf oge, %get3A_344, %ge3A_345 : vector<16xf32>
        %jit3A_347 = arith.constant 0 : i32
        %broadcast_in_dim3A_348 = vector.broadcast %while3A_119 : i32 to vector<16xi32>
        %broadcast_in_dim3A_349 = vector.broadcast %jit3A_347 : i32 to vector<16xi32>
        %select_n3A_350 = arith.select %ge3A_346, %broadcast_in_dim3A_348, %broadcast_in_dim3A_349 : vector<16xi1>, vector<16xi32>
        %add3A_351 = arith.addi %add3A_340, %select_n3A_350 : vector<16xi32>
        %add3A_352 = arith.constant 80 : i32
        %add3A_353 = arith.addi %mul3A_298, %add3A_352 : i32
        %get3A_354 = arith.index_cast %add3A_353 : i32 to index
        %get3A_355 = tpu.vector_load %arg4[%get3A_354] {strides = array<i32>} : memref<32768xf32, #tpu.memory_space<vmem>>, vector<16xf32>,
        %ge3A_356 = vector.broadcast %bitcast_convert_type3A_259 : f32 to vector<16xf32>
        %ge3A_357 = arith.cmpf oge, %get3A_355, %ge3A_356 : vector<16xf32>
        %jit3A_358 = arith.constant 0 : i32
        %broadcast_in_dim3A_359 = vector.broadcast %while3A_119 : i32 to vector<16xi32>
        %broadcast_in_dim3A_360 = vector.broadcast %jit3A_358 : i32 to vector<16xi32>
        %select_n3A_361 = arith.select %ge3A_357, %broadcast_in_dim3A_359, %broadcast_in_dim3A_360 : vector<16xi1>, vector<16xi32>
        %add3A_362 = arith.addi %add3A_351, %select_n3A_361 : vector<16xi32>
        %add3A_363 = arith.constant 96 : i32
        %add3A_364 = arith.addi %mul3A_298, %add3A_363 : i32
        %get3A_365 = arith.index_cast %add3A_364 : i32 to index
        %get3A_366 = tpu.vector_load %arg4[%get3A_365] {strides = array<i32>} : memref<32768xf32, #tpu.memory_space<vmem>>, vector<16xf32>,
        %ge3A_367 = vector.broadcast %bitcast_convert_type3A_259 : f32 to vector<16xf32>
        %ge3A_368 = arith.cmpf oge, %get3A_366, %ge3A_367 : vector<16xf32>
        %jit3A_369 = arith.constant 0 : i32
        %broadcast_in_dim3A_370 = vector.broadcast %while3A_119 : i32 to vector<16xi32>
        %broadcast_in_dim3A_371 = vector.broadcast %jit3A_369 : i32 to vector<16xi32>
        %select_n3A_372 = arith.select %ge3A_368, %broadcast_in_dim3A_370, %broadcast_in_dim3A_371 : vector<16xi1>, vector<16xi32>
        %add3A_373 = arith.addi %add3A_362, %select_n3A_372 : vector<16xi32>
        %add3A_374 = arith.constant 112 : i32
        %add3A_375 = arith.addi %mul3A_298, %add3A_374 : i32
        %get3A_376 = arith.index_cast %add3A_375 : i32 to index
        %get3A_377 = tpu.vector_load %arg4[%get3A_376] {strides = array<i32>} : memref<32768xf32, #tpu.memory_space<vmem>>, vector<16xf32>,
        %ge3A_378 = vector.broadcast %bitcast_convert_type3A_259 : f32 to vector<16xf32>
        %ge3A_379 = arith.cmpf oge, %get3A_377, %ge3A_378 : vector<16xf32>
        %jit3A_380 = arith.constant 0 : i32
        %broadcast_in_dim3A_381 = vector.broadcast %while3A_119 : i32 to vector<16xi32>
        %broadcast_in_dim3A_382 = vector.broadcast %jit3A_380 : i32 to vector<16xi32>
        %select_n3A_383 = arith.select %ge3A_379, %broadcast_in_dim3A_381, %broadcast_in_dim3A_382 : vector<16xi1>, vector<16xi32>
        %add3A_384 = arith.addi %add3A_373, %select_n3A_383 : vector<16xi32>
        scf.yield %add3A_384 : vector<16xi32>
      }
      %scan3A_266 = arith.constant 256 : i32
      %reduce_sum3A = arith.constant true
      %reduce_sum3A_267 = vector.broadcast %reduce_sum3A : i1 to vector<16xi1>
      %reduce_sum3A_268 = tpu.scan <sum>, %scan3A_265 masked %reduce_sum3A_267 : vector<16xi32>, vector<16xi1> -> vector<16xi32>
      %reduce_sum3A_269 = vector.extract %reduce_sum3A_268[15] : i32 from vector<16xi32>
      %convert_element_type3A_270 = arith.sitofp %reduce_sum3A_269 : i32 to f32
      %eq3A_271 = arith.constant 0 : i32
      %eq3A_272 = arith.cmpi eq, %select_n3A_214, %eq3A_271 : i32
      %eq3A_273 = arith.cmpf oeq, %convert_element_type3A_270, %while3A_121 : f32
      %and3A_274 = arith.andi %eq3A_272, %eq3A_273 : i1
      %select_n3A_275 = arith.select %and3A_274, %bitcast_convert_type3A_259, %select_n3A_213 : f32
      %select_n3A_276 = arith.select %and3A_274, %while3A_119, %select_n3A_214 : i32
      %max3A_277 = arith.constant 5.000000e-01 : f32
      %max3A_278 = arith.maximumf %convert_element_type3A_270, %max3A_277 : f32
      %bitcast_convert_type3A_279 = arith.bitcast %max3A_278 : f32 to i32
      %convert_element_type3A_280 = arith.sitofp %bitcast_convert_type3A_279 : i32 to f32
      %mul3A_281 = arith.constant 1.1920929E-7 : f32
      %mul3A_282 = arith.mulf %convert_element_type3A_280, %mul3A_281 : f32
      %sub3A_283 = arith.constant 1.270000e+02 : f32
      %sub3A_284 = arith.subf %mul3A_282, %sub3A_283 : f32
      %eq3A_285 = arith.constant 0 : i32
      %eq3A_286 = arith.cmpi eq, %select_n3A_276, %eq3A_285 : i32
      %ge3A = arith.cmpf oge, %convert_element_type3A_270, %while3A_121 : f32
      %and3A_287 = arith.andi %eq3A_286, %ge3A : i1
      %lt3A_288 = arith.cmpf olt, %convert_element_type3A_270, %while3A_121 : f32
      %and3A_289 = arith.andi %eq3A_286, %lt3A_288 : i1
      %select_n3A_290 = arith.select %and3A_287, %min3A, %while3A_193 : i32
      %select_n3A_291 = arith.select %and3A_287, %sub3A_284, %while3A_195 : f32
      %select_n3A_292 = arith.select %and3A_289, %min3A, %while3A_194 : i32
      %select_n3A_293 = arith.select %and3A_289, %sub3A_284, %while3A_196 : f32
      %add3A_294 = arith.addi %while3A_192, %while3A_119 : i32
      scf.yield %add3A_294, %select_n3A_290, %select_n3A_292, %select_n3A_291, %select_n3A_293, %select_n3A_276, %select_n3A_275 : i32, i32, i32, f32, f32, i32, f32
    }
    %eq3A_127 = arith.constant 0 : i32
    %eq3A_128 = arith.cmpi eq, %while3A_126#5, %eq3A_127 : i32
    %lt3A_129 = arith.constant 0 : i32
    %lt3A_130 = arith.cmpi slt, %while3A_126#1, %lt3A_129 : i32
    %xor3A_131 = arith.constant 2147483647 : i32
    %xor3A_132 = arith.xori %while3A_126#1, %xor3A_131 : i32
    %select_n3A_133 = arith.select %lt3A_130, %xor3A_132, %while3A_126#1 : i32
    %bitcast_convert_type3A_134 = arith.bitcast %select_n3A_133 : i32 to f32
    %select_n3A_135 = arith.select %eq3A_128, %bitcast_convert_type3A_134, %while3A_126#6 : f32
    %scan3A_136 = arith.constant 0 : i32
    %scan3A_137 = arith.constant 0 : i32
    %scan3A_138 = arith.constant 256 : i32
    %scan3A_139 = arith.addi %scan3A_137, %scan3A_138 : i32
    %scan3A_140 = arith.constant 1 : i32
    scf.for %scan3A_192 = %scan3A_137 to %scan3A_139 step %scan3A_140  : i32 {
      %mul3A_193 = arith.constant 128 : i32
      %mul3A_194 = arith.muli %scan3A_192, %mul3A_193 : i32
      %add3A_195 = arith.constant 0 : i32
      %add3A_196 = arith.addi %mul3A_194, %add3A_195 : i32
      %get3A = arith.index_cast %add3A_196 : i32 to index
      %get3A_197 = tpu.vector_load %arg4[%get3A] {strides = array<i32>} : memref<32768xf32, #tpu.memory_space<vmem>>, vector<16xf32>,
      %ge3A = vector.broadcast %select_n3A_135 : f32 to vector<16xf32>
      %ge3A_198 = arith.cmpf oge, %get3A_197, %ge3A : vector<16xf32>
      %jit3A = arith.constant 0.000000e+00 : f32
      %broadcast_in_dim3A = vector.broadcast %jit3A : f32 to vector<16xf32>
      %select_n3A_199 = arith.select %ge3A_198, %get3A_197, %broadcast_in_dim3A : vector<16xi1>, vector<16xf32>
      %add3A_200 = arith.constant 0 : i32
      %add3A_201 = arith.addi %mul3A_194, %add3A_200 : i32
      %swap3A = arith.index_cast %add3A_201 : i32 to index
      %swap3A_202 = tpu.vector_load %arg4[%swap3A] {strides = array<i32>} : memref<32768xf32, #tpu.memory_space<vmem>>, vector<16xf32>,
      tpu.vector_store %arg4[%swap3A], %select_n3A_199 {strides = array<i32>} : memref<32768xf32, #tpu.memory_space<vmem>>, vector<16xf32>,
      %add3A_203 = arith.constant 16 : i32
      %add3A_204 = arith.addi %mul3A_194, %add3A_203 : i32
      %get3A_205 = arith.index_cast %add3A_204 : i32 to index
      %get3A_206 = tpu.vector_load %arg4[%get3A_205] {strides = array<i32>} : memref<32768xf32, #tpu.memory_space<vmem>>, vector<16xf32>,
      %ge3A_207 = vector.broadcast %select_n3A_135 : f32 to vector<16xf32>
      %ge3A_208 = arith.cmpf oge, %get3A_206, %ge3A_207 : vector<16xf32>
      %jit3A_209 = arith.constant 0.000000e+00 : f32
      %broadcast_in_dim3A_210 = vector.broadcast %jit3A_209 : f32 to vector<16xf32>
      %select_n3A_211 = arith.select %ge3A_208, %get3A_206, %broadcast_in_dim3A_210 : vector<16xi1>, vector<16xf32>
      %add3A_212 = arith.constant 16 : i32
      %add3A_213 = arith.addi %mul3A_194, %add3A_212 : i32
      %swap3A_214 = arith.index_cast %add3A_213 : i32 to index
      %swap3A_215 = tpu.vector_load %arg4[%swap3A_214] {strides = array<i32>} : memref<32768xf32, #tpu.memory_space<vmem>>, vector<16xf32>,
      tpu.vector_store %arg4[%swap3A_214], %select_n3A_211 {strides = array<i32>} : memref<32768xf32, #tpu.memory_space<vmem>>, vector<16xf32>,
      %add3A_216 = arith.constant 32 : i32
      %add3A_217 = arith.addi %mul3A_194, %add3A_216 : i32
      %get3A_218 = arith.index_cast %add3A_217 : i32 to index
      %get3A_219 = tpu.vector_load %arg4[%get3A_218] {strides = array<i32>} : memref<32768xf32, #tpu.memory_space<vmem>>, vector<16xf32>,
      %ge3A_220 = vector.broadcast %select_n3A_135 : f32 to vector<16xf32>
      %ge3A_221 = arith.cmpf oge, %get3A_219, %ge3A_220 : vector<16xf32>
      %jit3A_222 = arith.constant 0.000000e+00 : f32
      %broadcast_in_dim3A_223 = vector.broadcast %jit3A_222 : f32 to vector<16xf32>
      %select_n3A_224 = arith.select %ge3A_221, %get3A_219, %broadcast_in_dim3A_223 : vector<16xi1>, vector<16xf32>
      %add3A_225 = arith.constant 32 : i32
      %add3A_226 = arith.addi %mul3A_194, %add3A_225 : i32
      %swap3A_227 = arith.index_cast %add3A_226 : i32 to index
      %swap3A_228 = tpu.vector_load %arg4[%swap3A_227] {strides = array<i32>} : memref<32768xf32, #tpu.memory_space<vmem>>, vector<16xf32>,
      tpu.vector_store %arg4[%swap3A_227], %select_n3A_224 {strides = array<i32>} : memref<32768xf32, #tpu.memory_space<vmem>>, vector<16xf32>,
      %add3A_229 = arith.constant 48 : i32
      %add3A_230 = arith.addi %mul3A_194, %add3A_229 : i32
      %get3A_231 = arith.index_cast %add3A_230 : i32 to index
      %get3A_232 = tpu.vector_load %arg4[%get3A_231] {strides = array<i32>} : memref<32768xf32, #tpu.memory_space<vmem>>, vector<16xf32>,
      %ge3A_233 = vector.broadcast %select_n3A_135 : f32 to vector<16xf32>
      %ge3A_234 = arith.cmpf oge, %get3A_232, %ge3A_233 : vector<16xf32>
      %jit3A_235 = arith.constant 0.000000e+00 : f32
      %broadcast_in_dim3A_236 = vector.broadcast %jit3A_235 : f32 to vector<16xf32>
      %select_n3A_237 = arith.select %ge3A_234, %get3A_232, %broadcast_in_dim3A_236 : vector<16xi1>, vector<16xf32>
      %add3A_238 = arith.constant 48 : i32
      %add3A_239 = arith.addi %mul3A_194, %add3A_238 : i32
      %swap3A_240 = arith.index_cast %add3A_239 : i32 to index
      %swap3A_241 = tpu.vector_load %arg4[%swap3A_240] {strides = array<i32>} : memref<32768xf32, #tpu.memory_space<vmem>>, vector<16xf32>,
      tpu.vector_store %arg4[%swap3A_240], %select_n3A_237 {strides = array<i32>} : memref<32768xf32, #tpu.memory_space<vmem>>, vector<16xf32>,
      %add3A_242 = arith.constant 64 : i32
      %add3A_243 = arith.addi %mul3A_194, %add3A_242 : i32
      %get3A_244 = arith.index_cast %add3A_243 : i32 to index
      %get3A_245 = tpu.vector_load %arg4[%get3A_244] {strides = array<i32>} : memref<32768xf32, #tpu.memory_space<vmem>>, vector<16xf32>,
      %ge3A_246 = vector.broadcast %select_n3A_135 : f32 to vector<16xf32>
      %ge3A_247 = arith.cmpf oge, %get3A_245, %ge3A_246 : vector<16xf32>
      %jit3A_248 = arith.constant 0.000000e+00 : f32
      %broadcast_in_dim3A_249 = vector.broadcast %jit3A_248 : f32 to vector<16xf32>
      %select_n3A_250 = arith.select %ge3A_247, %get3A_245, %broadcast_in_dim3A_249 : vector<16xi1>, vector<16xf32>
      %add3A_251 = arith.constant 64 : i32
      %add3A_252 = arith.addi %mul3A_194, %add3A_251 : i32
      %swap3A_253 = arith.index_cast %add3A_252 : i32 to index
      %swap3A_254 = tpu.vector_load %arg4[%swap3A_253] {strides = array<i32>} : memref<32768xf32, #tpu.memory_space<vmem>>, vector<16xf32>,
      tpu.vector_store %arg4[%swap3A_253], %select_n3A_250 {strides = array<i32>} : memref<32768xf32, #tpu.memory_space<vmem>>, vector<16xf32>,
      %add3A_255 = arith.constant 80 : i32
      %add3A_256 = arith.addi %mul3A_194, %add3A_255 : i32
      %get3A_257 = arith.index_cast %add3A_256 : i32 to index
      %get3A_258 = tpu.vector_load %arg4[%get3A_257] {strides = array<i32>} : memref<32768xf32, #tpu.memory_space<vmem>>, vector<16xf32>,
      %ge3A_259 = vector.broadcast %select_n3A_135 : f32 to vector<16xf32>
      %ge3A_260 = arith.cmpf oge, %get3A_258, %ge3A_259 : vector<16xf32>
      %jit3A_261 = arith.constant 0.000000e+00 : f32
      %broadcast_in_dim3A_262 = vector.broadcast %jit3A_261 : f32 to vector<16xf32>
      %select_n3A_263 = arith.select %ge3A_260, %get3A_258, %broadcast_in_dim3A_262 : vector<16xi1>, vector<16xf32>
      %add3A_264 = arith.constant 80 : i32
      %add3A_265 = arith.addi %mul3A_194, %add3A_264 : i32
      %swap3A_266 = arith.index_cast %add3A_265 : i32 to index
      %swap3A_267 = tpu.vector_load %arg4[%swap3A_266] {strides = array<i32>} : memref<32768xf32, #tpu.memory_space<vmem>>, vector<16xf32>,
      tpu.vector_store %arg4[%swap3A_266], %select_n3A_263 {strides = array<i32>} : memref<32768xf32, #tpu.memory_space<vmem>>, vector<16xf32>,
      %add3A_268 = arith.constant 96 : i32
      %add3A_269 = arith.addi %mul3A_194, %add3A_268 : i32
      %get3A_270 = arith.index_cast %add3A_269 : i32 to index
      %get3A_271 = tpu.vector_load %arg4[%get3A_270] {strides = array<i32>} : memref<32768xf32, #tpu.memory_space<vmem>>, vector<16xf32>,
      %ge3A_272 = vector.broadcast %select_n3A_135 : f32 to vector<16xf32>
      %ge3A_273 = arith.cmpf oge, %get3A_271, %ge3A_272 : vector<16xf32>
      %jit3A_274 = arith.constant 0.000000e+00 : f32
      %broadcast_in_dim3A_275 = vector.broadcast %jit3A_274 : f32 to vector<16xf32>
      %select_n3A_276 = arith.select %ge3A_273, %get3A_271, %broadcast_in_dim3A_275 : vector<16xi1>, vector<16xf32>
      %add3A_277 = arith.constant 96 : i32
      %add3A_278 = arith.addi %mul3A_194, %add3A_277 : i32
      %swap3A_279 = arith.index_cast %add3A_278 : i32 to index
      %swap3A_280 = tpu.vector_load %arg4[%swap3A_279] {strides = array<i32>} : memref<32768xf32, #tpu.memory_space<vmem>>, vector<16xf32>,
      tpu.vector_store %arg4[%swap3A_279], %select_n3A_276 {strides = array<i32>} : memref<32768xf32, #tpu.memory_space<vmem>>, vector<16xf32>,
      %add3A_281 = arith.constant 112 : i32
      %add3A_282 = arith.addi %mul3A_194, %add3A_281 : i32
      %get3A_283 = arith.index_cast %add3A_282 : i32 to index
      %get3A_284 = tpu.vector_load %arg4[%get3A_283] {strides = array<i32>} : memref<32768xf32, #tpu.memory_space<vmem>>, vector<16xf32>,
      %ge3A_285 = vector.broadcast %select_n3A_135 : f32 to vector<16xf32>
      %ge3A_286 = arith.cmpf oge, %get3A_284, %ge3A_285 : vector<16xf32>
      %jit3A_287 = arith.constant 0.000000e+00 : f32
      %broadcast_in_dim3A_288 = vector.broadcast %jit3A_287 : f32 to vector<16xf32>
      %select_n3A_289 = arith.select %ge3A_286, %get3A_284, %broadcast_in_dim3A_288 : vector<16xi1>, vector<16xf32>
      %add3A_290 = arith.constant 112 : i32
      %add3A_291 = arith.addi %mul3A_194, %add3A_290 : i32
      %swap3A_292 = arith.index_cast %add3A_291 : i32 to index
      %swap3A_293 = tpu.vector_load %arg4[%swap3A_292] {strides = array<i32>} : memref<32768xf32, #tpu.memory_space<vmem>>, vector<16xf32>,
      tpu.vector_store %arg4[%swap3A_292], %select_n3A_289 {strides = array<i32>} : memref<32768xf32, #tpu.memory_space<vmem>>, vector<16xf32>,
    }
    %scan3A_141 = arith.constant 256 : i32
    "tpu.region"() ({
      %run_scoped3A = tpu.sem_alloc : memref<!tpu.dma_semaphore, #tpu.memory_space<semaphore_mem>>
      %dma_start3A = arith.constant 0 : i32
      %dma_start3A_192 = tpu.memref_slice %arg3[%add3A_95, %dma_start3A] : memref<128x32768xf32, #tpu.memory_space<hbm>> -> memref<1x32768xf32, #tpu.memory_space<hbm>>
      %dma_start3A_193 = tpu.memref_squeeze %dma_start3A_192 : memref<1x32768xf32, #tpu.memory_space<hbm>> -> memref<32768xf32, #tpu.memory_space<hbm>>
      %dma_start3A_194 = arith.constant 0 : i32
      %dma_start3A_195 = tpu.memref_slice %arg3[%add3A_95, %dma_start3A_194] : memref<128x32768xf32, #tpu.memory_space<hbm>> -> memref<1x32768xf32, #tpu.memory_space<hbm>>
      %dma_start3A_196 = tpu.memref_squeeze %dma_start3A_195 : memref<1x32768xf32, #tpu.memory_space<hbm>> -> memref<32768xf32, #tpu.memory_space<hbm>>
      tpu.enqueue_dma source(%arg4 : memref<32768xf32, #tpu.memory_space<vmem>>) target(%dma_start3A_196 : memref<32768xf32, #tpu.memory_space<hbm>>) target_semaphore(%run_scoped3A : memref<!tpu.dma_semaphore, #tpu.memory_space<semaphore_mem>>)
      %dma_wait3A = arith.constant 0 : i32
      %dma_wait3A_197 = tpu.memref_slice %arg3[%add3A_95, %dma_wait3A] : memref<128x32768xf32, #tpu.memory_space<hbm>> -> memref<1x32768xf32, #tpu.memory_space<hbm>>
      %dma_wait3A_198 = tpu.memref_squeeze %dma_wait3A_197 : memref<1x32768xf32, #tpu.memory_space<hbm>> -> memref<32768xf32, #tpu.memory_space<hbm>>
      %dma_wait3A_199 = arith.constant 0 : i32
      %dma_wait3A_200 = tpu.memref_slice %arg3[%add3A_95, %dma_wait3A_199] : memref<128x32768xf32, #tpu.memory_space<hbm>> -> memref<1x32768xf32, #tpu.memory_space<hbm>>
      %dma_wait3A_201 = tpu.memref_squeeze %dma_wait3A_200 : memref<1x32768xf32, #tpu.memory_space<hbm>> -> memref<32768xf32, #tpu.memory_space<hbm>>
      tpu.wait_dma2 semaphore(%run_scoped3A : memref<!tpu.dma_semaphore, #tpu.memory_space<semaphore_mem>>) src(%arg4 : memref<32768xf32, #tpu.memory_space<vmem>>) dst(%dma_wait3A_201 : memref<32768xf32, #tpu.memory_space<hbm>>)
      tpu.yield
    }) : () -> ()
    %mul3A_142 = arith.constant 4 : i32
    %mul3A_143 = arith.muli %add3A, %mul3A_142 : i32
    %add3A_144 = arith.constant 3 : i32
    %add3A_145 = arith.addi %mul3A_143, %add3A_144 : i32
    "tpu.region"() ({
      %run_scoped3A = tpu.sem_alloc : memref<!tpu.dma_semaphore, #tpu.memory_space<semaphore_mem>>
      %dma_start3A = arith.constant 0 : i32
      %dma_start3A_192 = tpu.memref_slice %arg2[%add3A_145, %dma_start3A] : memref<128x32768xf32, #tpu.memory_space<hbm>> -> memref<1x32768xf32, #tpu.memory_space<hbm>>
      %dma_start3A_193 = tpu.memref_squeeze %dma_start3A_192 : memref<1x32768xf32, #tpu.memory_space<hbm>> -> memref<32768xf32, #tpu.memory_space<hbm>>
      %dma_start3A_194 = arith.constant 0 : i32
      %dma_start3A_195 = tpu.memref_slice %arg2[%add3A_145, %dma_start3A_194] : memref<128x32768xf32, #tpu.memory_space<hbm>> -> memref<1x32768xf32, #tpu.memory_space<hbm>>
      %dma_start3A_196 = tpu.memref_squeeze %dma_start3A_195 : memref<1x32768xf32, #tpu.memory_space<hbm>> -> memref<32768xf32, #tpu.memory_space<hbm>>
      tpu.enqueue_dma source(%dma_start3A_196 : memref<32768xf32, #tpu.memory_space<hbm>>) target(%arg4 : memref<32768xf32, #tpu.memory_space<vmem>>) target_semaphore(%run_scoped3A : memref<!tpu.dma_semaphore, #tpu.memory_space<semaphore_mem>>)
      %dma_wait3A = arith.constant 0 : i32
      %dma_wait3A_197 = tpu.memref_slice %arg2[%add3A_145, %dma_wait3A] : memref<128x32768xf32, #tpu.memory_space<hbm>> -> memref<1x32768xf32, #tpu.memory_space<hbm>>
      %dma_wait3A_198 = tpu.memref_squeeze %dma_wait3A_197 : memref<1x32768xf32, #tpu.memory_space<hbm>> -> memref<32768xf32, #tpu.memory_space<hbm>>
      %dma_wait3A_199 = arith.constant 0 : i32
      %dma_wait3A_200 = tpu.memref_slice %arg2[%add3A_145, %dma_wait3A_199] : memref<128x32768xf32, #tpu.memory_space<hbm>> -> memref<1x32768xf32, #tpu.memory_space<hbm>>
      %dma_wait3A_201 = tpu.memref_squeeze %dma_wait3A_200 : memref<1x32768xf32, #tpu.memory_space<hbm>> -> memref<32768xf32, #tpu.memory_space<hbm>>
      tpu.wait_dma2 semaphore(%run_scoped3A : memref<!tpu.dma_semaphore, #tpu.memory_space<semaphore_mem>>) src(%dma_wait3A_201 : memref<32768xf32, #tpu.memory_space<hbm>>) dst(%arg4 : memref<32768xf32, #tpu.memory_space<vmem>>)
      tpu.yield
    }) : () -> ()
    %bitcast_convert_type3A_146 = arith.constant 0xFF800000 : f32
    %bitcast_convert_type3A_147 = arith.bitcast %bitcast_convert_type3A_146 : f32 to i32
    %lt3A_148 = arith.constant 0 : i32
    %lt3A_149 = arith.cmpi slt, %bitcast_convert_type3A_147, %lt3A_148 : i32
    %xor3A_150 = arith.constant 2147483647 : i32
    %xor3A_151 = arith.xori %bitcast_convert_type3A_147, %xor3A_150 : i32
    %select_n3A_152 = arith.select %lt3A_149, %xor3A_151, %bitcast_convert_type3A_147 : i32
    %bitcast_convert_type3A_153 = arith.constant 0x7F800000 : f32
    %bitcast_convert_type3A_154 = arith.bitcast %bitcast_convert_type3A_153 : f32 to i32
    %lt3A_155 = arith.constant 0 : i32
    %lt3A_156 = arith.cmpi slt, %bitcast_convert_type3A_154, %lt3A_155 : i32
    %xor3A_157 = arith.constant 2147483647 : i32
    %xor3A_158 = arith.xori %bitcast_convert_type3A_154, %xor3A_157 : i32
    %select_n3A_159 = arith.select %lt3A_156, %xor3A_158, %bitcast_convert_type3A_154 : i32
    %add3A_160 = arith.constant 1 : i32
    %add3A_161 = arith.addi %select_n3A_159, %add3A_160 : i32
    %bitcast_convert_type3A_162 = arith.constant 3.276800e+04 : f32
    %bitcast_convert_type3A_163 = arith.bitcast %bitcast_convert_type3A_162 : f32 to i32
    %convert_element_type3A_164 = arith.sitofp %bitcast_convert_type3A_163 : i32 to f32
    %mul3A_165 = arith.constant 1.1920929E-7 : f32
    %mul3A_166 = arith.mulf %convert_element_type3A_164, %mul3A_165 : f32
    %sub3A_167 = arith.constant 1.270000e+02 : f32
    %sub3A_168 = arith.subf %mul3A_166, %sub3A_167 : f32
    %while3A_169 = arith.constant 1 : i32
    %while3A_170 = arith.constant 8.35314655 : f32
    %while3A_171 = arith.constant 3.270000e+02 : f32
    %while3A_172 = arith.constant 0 : i32
    %while3A_173 = arith.constant -1.000000e+00 : f32
    %while3A_174 = arith.constant 0 : i32
    %while3A_175 = arith.constant 0.000000e+00 : f32
    %while3A_176:7 = scf.while (%while3A_192 = %while3A_172, %while3A_193 = %select_n3A_152, %while3A_194 = %add3A_161, %while3A_195 = %sub3A_168, %while3A_196 = %while3A_173, %while3A_197 = %while3A_174, %while3A_198 = %while3A_175) : (i32, i32, i32, f32, f32, i32, f32) -> (i32, i32, i32, f32, f32, i32, f32) {
      %lt3A_199 = arith.constant 50 : i32
      %lt3A_200 = arith.cmpi slt, %while3A_192, %lt3A_199 : i32
      %eq3A_201 = arith.constant 0 : i32
      %eq3A_202 = arith.cmpi eq, %while3A_197, %eq3A_201 : i32
      %and3A = arith.andi %lt3A_200, %eq3A_202 : i1
      scf.condition(%and3A) %while3A_192, %while3A_193, %while3A_194, %while3A_195, %while3A_196, %while3A_197, %while3A_198 : i32, i32, i32, f32, f32, i32, f32
    } do {
    ^bb0(%while3A_192: i32, %while3A_193: i32, %while3A_194: i32, %while3A_195: f32, %while3A_196: f32, %while3A_197: i32, %while3A_198: f32):
      %lt3A_199 = arith.constant 0 : i32
      %lt3A_200 = arith.cmpi slt, %while3A_193, %lt3A_199 : i32
      %xor3A_201 = arith.constant 2147483647 : i32
      %xor3A_202 = arith.xori %while3A_193, %xor3A_201 : i32
      %select_n3A_203 = arith.select %lt3A_200, %xor3A_202, %while3A_193 : i32
      %bitcast_convert_type3A_204 = arith.bitcast %select_n3A_203 : i32 to f32
      %lt3A_205 = arith.constant 0 : i32
      %lt3A_206 = arith.cmpi slt, %while3A_194, %lt3A_205 : i32
      %xor3A_207 = arith.constant 2147483647 : i32
      %xor3A_208 = arith.xori %while3A_194, %xor3A_207 : i32
      %select_n3A_209 = arith.select %lt3A_206, %xor3A_208, %while3A_194 : i32
      %bitcast_convert_type3A_210 = arith.bitcast %select_n3A_209 : i32 to f32
      %add3A_211 = arith.addi %while3A_193, %while3A_169 : i32
      %eq3A_212 = arith.cmpi eq, %while3A_194, %add3A_211 : i32
      %select_n3A_213 = arith.select %eq3A_212, %bitcast_convert_type3A_204, %while3A_198 : f32
      %select_n3A_214 = arith.select %eq3A_212, %while3A_169, %while3A_197 : i32
      %sub3A_215 = arith.subf %while3A_170, %while3A_196 : f32
      %sub3A_216 = arith.subf %while3A_195, %while3A_196 : f32
      %bitcast_convert_type3A_217 = arith.bitcast %sub3A_216 : f32 to i32
      %sub3A_218 = arith.constant 2129733610 : i32
      %sub3A_219 = arith.subi %sub3A_218, %bitcast_convert_type3A_217 : i32
      %bitcast_convert_type3A_220 = arith.bitcast %sub3A_219 : i32 to f32
      %mul3A_221 = arith.mulf %sub3A_216, %bitcast_convert_type3A_220 : f32
      %sub3A_222 = arith.constant 2.000000e+00 : f32
      %sub3A_223 = arith.subf %sub3A_222, %mul3A_221 : f32
      %mul3A_224 = arith.mulf %bitcast_convert_type3A_220, %sub3A_223 : f32
      %mul3A_225 = arith.mulf %sub3A_216, %mul3A_224 : f32
      %sub3A_226 = arith.constant 2.000000e+00 : f32
      %sub3A_227 = arith.subf %sub3A_226, %mul3A_225 : f32
      %mul3A_228 = arith.mulf %mul3A_224, %sub3A_227 : f32
      %mul3A_229 = arith.mulf %sub3A_216, %mul3A_228 : f32
      %sub3A_230 = arith.constant 2.000000e+00 : f32
      %sub3A_231 = arith.subf %sub3A_230, %mul3A_229 : f32
      %mul3A_232 = arith.mulf %mul3A_228, %sub3A_231 : f32
      %mul3A_233 = arith.mulf %sub3A_215, %mul3A_232 : f32
      %sub3A_234 = arith.subf %bitcast_convert_type3A_204, %bitcast_convert_type3A_210 : f32
      %mul3A_235 = arith.mulf %sub3A_234, %mul3A_233 : f32
      %add3A_236 = arith.addf %bitcast_convert_type3A_210, %mul3A_235 : f32
      %bitcast_convert_type3A_237 = arith.bitcast %add3A_236 : f32 to i32
      %lt3A_238 = arith.constant 0 : i32
      %lt3A_239 = arith.cmpi slt, %bitcast_convert_type3A_237, %lt3A_238 : i32
      %xor3A_240 = arith.constant 2147483647 : i32
      %xor3A_241 = arith.xori %bitcast_convert_type3A_237, %xor3A_240 : i32
      %select_n3A_242 = arith.select %lt3A_239, %xor3A_241, %bitcast_convert_type3A_237 : i32
      %shift_right_arithmetic3A = arith.constant 1 : i32
      %shift_right_arithmetic3A_243 = arith.shrsi %while3A_193, %shift_right_arithmetic3A : i32
      %shift_right_arithmetic3A_244 = arith.constant 1 : i32
      %shift_right_arithmetic3A_245 = arith.shrsi %while3A_194, %shift_right_arithmetic3A_244 : i32
      %add3A_246 = arith.addi %shift_right_arithmetic3A_243, %shift_right_arithmetic3A_245 : i32
      %and3A = arith.andi %while3A_193, %while3A_194 : i32
      %and3A_247 = arith.andi %and3A, %while3A_169 : i32
      %add3A_248 = arith.addi %add3A_246, %and3A_247 : i32
      %lt3A_249 = arith.constant 8 : i32
      %lt3A_250 = arith.cmpi slt, %while3A_192, %lt3A_249 : i32
      %select_n3A_251 = arith.select %lt3A_250, %select_n3A_242, %add3A_248 : i32
      %add3A_252 = arith.addi %while3A_193, %while3A_169 : i32
      %sub3A_253 = arith.subi %while3A_194, %while3A_169 : i32
      %max3A = arith.maxsi %add3A_252, %select_n3A_251 : i32
      %min3A = arith.minsi %sub3A_253, %max3A : i32
      %lt3A_254 = arith.constant 0 : i32
      %lt3A_255 = arith.cmpi slt, %min3A, %lt3A_254 : i32
      %xor3A_256 = arith.constant 2147483647 : i32
      %xor3A_257 = arith.xori %min3A, %xor3A_256 : i32
      %select_n3A_258 = arith.select %lt3A_255, %xor3A_257, %min3A : i32
      %bitcast_convert_type3A_259 = arith.bitcast %select_n3A_258 : i32 to f32
      %broadcast_in_dim3A = arith.constant 0 : i32
      %broadcast_in_dim3A_260 = vector.broadcast %broadcast_in_dim3A : i32 to vector<16xi32>
      %scan3A_261 = arith.constant 0 : i32
      %scan3A_262 = arith.constant 256 : i32
      %scan3A_263 = arith.addi %scan3A_261, %scan3A_262 : i32
      %scan3A_264 = arith.constant 1 : i32
      %scan3A_265 = scf.for %scan3A_295 = %scan3A_261 to %scan3A_263 step %scan3A_264 iter_args(%scan3A_296 = %broadcast_in_dim3A_260) -> (vector<16xi32>)  : i32 {
        %mul3A_297 = arith.constant 128 : i32
        %mul3A_298 = arith.muli %scan3A_295, %mul3A_297 : i32
        %add3A_299 = arith.constant 0 : i32
        %add3A_300 = arith.addi %mul3A_298, %add3A_299 : i32
        %get3A = arith.index_cast %add3A_300 : i32 to index
        %get3A_301 = tpu.vector_load %arg4[%get3A] {strides = array<i32>} : memref<32768xf32, #tpu.memory_space<vmem>>, vector<16xf32>,
        %ge3A_302 = vector.broadcast %bitcast_convert_type3A_259 : f32 to vector<16xf32>
        %ge3A_303 = arith.cmpf oge, %get3A_301, %ge3A_302 : vector<16xf32>
        %jit3A = arith.constant 0 : i32
        %broadcast_in_dim3A_304 = vector.broadcast %while3A_169 : i32 to vector<16xi32>
        %broadcast_in_dim3A_305 = vector.broadcast %jit3A : i32 to vector<16xi32>
        %select_n3A_306 = arith.select %ge3A_303, %broadcast_in_dim3A_304, %broadcast_in_dim3A_305 : vector<16xi1>, vector<16xi32>
        %add3A_307 = arith.addi %scan3A_296, %select_n3A_306 : vector<16xi32>
        %add3A_308 = arith.constant 16 : i32
        %add3A_309 = arith.addi %mul3A_298, %add3A_308 : i32
        %get3A_310 = arith.index_cast %add3A_309 : i32 to index
        %get3A_311 = tpu.vector_load %arg4[%get3A_310] {strides = array<i32>} : memref<32768xf32, #tpu.memory_space<vmem>>, vector<16xf32>,
        %ge3A_312 = vector.broadcast %bitcast_convert_type3A_259 : f32 to vector<16xf32>
        %ge3A_313 = arith.cmpf oge, %get3A_311, %ge3A_312 : vector<16xf32>
        %jit3A_314 = arith.constant 0 : i32
        %broadcast_in_dim3A_315 = vector.broadcast %while3A_169 : i32 to vector<16xi32>
        %broadcast_in_dim3A_316 = vector.broadcast %jit3A_314 : i32 to vector<16xi32>
        %select_n3A_317 = arith.select %ge3A_313, %broadcast_in_dim3A_315, %broadcast_in_dim3A_316 : vector<16xi1>, vector<16xi32>
        %add3A_318 = arith.addi %add3A_307, %select_n3A_317 : vector<16xi32>
        %add3A_319 = arith.constant 32 : i32
        %add3A_320 = arith.addi %mul3A_298, %add3A_319 : i32
        %get3A_321 = arith.index_cast %add3A_320 : i32 to index
        %get3A_322 = tpu.vector_load %arg4[%get3A_321] {strides = array<i32>} : memref<32768xf32, #tpu.memory_space<vmem>>, vector<16xf32>,
        %ge3A_323 = vector.broadcast %bitcast_convert_type3A_259 : f32 to vector<16xf32>
        %ge3A_324 = arith.cmpf oge, %get3A_322, %ge3A_323 : vector<16xf32>
        %jit3A_325 = arith.constant 0 : i32
        %broadcast_in_dim3A_326 = vector.broadcast %while3A_169 : i32 to vector<16xi32>
        %broadcast_in_dim3A_327 = vector.broadcast %jit3A_325 : i32 to vector<16xi32>
        %select_n3A_328 = arith.select %ge3A_324, %broadcast_in_dim3A_326, %broadcast_in_dim3A_327 : vector<16xi1>, vector<16xi32>
        %add3A_329 = arith.addi %add3A_318, %select_n3A_328 : vector<16xi32>
        %add3A_330 = arith.constant 48 : i32
        %add3A_331 = arith.addi %mul3A_298, %add3A_330 : i32
        %get3A_332 = arith.index_cast %add3A_331 : i32 to index
        %get3A_333 = tpu.vector_load %arg4[%get3A_332] {strides = array<i32>} : memref<32768xf32, #tpu.memory_space<vmem>>, vector<16xf32>,
        %ge3A_334 = vector.broadcast %bitcast_convert_type3A_259 : f32 to vector<16xf32>
        %ge3A_335 = arith.cmpf oge, %get3A_333, %ge3A_334 : vector<16xf32>
        %jit3A_336 = arith.constant 0 : i32
        %broadcast_in_dim3A_337 = vector.broadcast %while3A_169 : i32 to vector<16xi32>
        %broadcast_in_dim3A_338 = vector.broadcast %jit3A_336 : i32 to vector<16xi32>
        %select_n3A_339 = arith.select %ge3A_335, %broadcast_in_dim3A_337, %broadcast_in_dim3A_338 : vector<16xi1>, vector<16xi32>
        %add3A_340 = arith.addi %add3A_329, %select_n3A_339 : vector<16xi32>
        %add3A_341 = arith.constant 64 : i32
        %add3A_342 = arith.addi %mul3A_298, %add3A_341 : i32
        %get3A_343 = arith.index_cast %add3A_342 : i32 to index
        %get3A_344 = tpu.vector_load %arg4[%get3A_343] {strides = array<i32>} : memref<32768xf32, #tpu.memory_space<vmem>>, vector<16xf32>,
        %ge3A_345 = vector.broadcast %bitcast_convert_type3A_259 : f32 to vector<16xf32>
        %ge3A_346 = arith.cmpf oge, %get3A_344, %ge3A_345 : vector<16xf32>
        %jit3A_347 = arith.constant 0 : i32
        %broadcast_in_dim3A_348 = vector.broadcast %while3A_169 : i32 to vector<16xi32>
        %broadcast_in_dim3A_349 = vector.broadcast %jit3A_347 : i32 to vector<16xi32>
        %select_n3A_350 = arith.select %ge3A_346, %broadcast_in_dim3A_348, %broadcast_in_dim3A_349 : vector<16xi1>, vector<16xi32>
        %add3A_351 = arith.addi %add3A_340, %select_n3A_350 : vector<16xi32>
        %add3A_352 = arith.constant 80 : i32
        %add3A_353 = arith.addi %mul3A_298, %add3A_352 : i32
        %get3A_354 = arith.index_cast %add3A_353 : i32 to index
        %get3A_355 = tpu.vector_load %arg4[%get3A_354] {strides = array<i32>} : memref<32768xf32, #tpu.memory_space<vmem>>, vector<16xf32>,
        %ge3A_356 = vector.broadcast %bitcast_convert_type3A_259 : f32 to vector<16xf32>
        %ge3A_357 = arith.cmpf oge, %get3A_355, %ge3A_356 : vector<16xf32>
        %jit3A_358 = arith.constant 0 : i32
        %broadcast_in_dim3A_359 = vector.broadcast %while3A_169 : i32 to vector<16xi32>
        %broadcast_in_dim3A_360 = vector.broadcast %jit3A_358 : i32 to vector<16xi32>
        %select_n3A_361 = arith.select %ge3A_357, %broadcast_in_dim3A_359, %broadcast_in_dim3A_360 : vector<16xi1>, vector<16xi32>
        %add3A_362 = arith.addi %add3A_351, %select_n3A_361 : vector<16xi32>
        %add3A_363 = arith.constant 96 : i32
        %add3A_364 = arith.addi %mul3A_298, %add3A_363 : i32
        %get3A_365 = arith.index_cast %add3A_364 : i32 to index
        %get3A_366 = tpu.vector_load %arg4[%get3A_365] {strides = array<i32>} : memref<32768xf32, #tpu.memory_space<vmem>>, vector<16xf32>,
        %ge3A_367 = vector.broadcast %bitcast_convert_type3A_259 : f32 to vector<16xf32>
        %ge3A_368 = arith.cmpf oge, %get3A_366, %ge3A_367 : vector<16xf32>
        %jit3A_369 = arith.constant 0 : i32
        %broadcast_in_dim3A_370 = vector.broadcast %while3A_169 : i32 to vector<16xi32>
        %broadcast_in_dim3A_371 = vector.broadcast %jit3A_369 : i32 to vector<16xi32>
        %select_n3A_372 = arith.select %ge3A_368, %broadcast_in_dim3A_370, %broadcast_in_dim3A_371 : vector<16xi1>, vector<16xi32>
        %add3A_373 = arith.addi %add3A_362, %select_n3A_372 : vector<16xi32>
        %add3A_374 = arith.constant 112 : i32
        %add3A_375 = arith.addi %mul3A_298, %add3A_374 : i32
        %get3A_376 = arith.index_cast %add3A_375 : i32 to index
        %get3A_377 = tpu.vector_load %arg4[%get3A_376] {strides = array<i32>} : memref<32768xf32, #tpu.memory_space<vmem>>, vector<16xf32>,
        %ge3A_378 = vector.broadcast %bitcast_convert_type3A_259 : f32 to vector<16xf32>
        %ge3A_379 = arith.cmpf oge, %get3A_377, %ge3A_378 : vector<16xf32>
        %jit3A_380 = arith.constant 0 : i32
        %broadcast_in_dim3A_381 = vector.broadcast %while3A_169 : i32 to vector<16xi32>
        %broadcast_in_dim3A_382 = vector.broadcast %jit3A_380 : i32 to vector<16xi32>
        %select_n3A_383 = arith.select %ge3A_379, %broadcast_in_dim3A_381, %broadcast_in_dim3A_382 : vector<16xi1>, vector<16xi32>
        %add3A_384 = arith.addi %add3A_373, %select_n3A_383 : vector<16xi32>
        scf.yield %add3A_384 : vector<16xi32>
      }
      %scan3A_266 = arith.constant 256 : i32
      %reduce_sum3A = arith.constant true
      %reduce_sum3A_267 = vector.broadcast %reduce_sum3A : i1 to vector<16xi1>
      %reduce_sum3A_268 = tpu.scan <sum>, %scan3A_265 masked %reduce_sum3A_267 : vector<16xi32>, vector<16xi1> -> vector<16xi32>
      %reduce_sum3A_269 = vector.extract %reduce_sum3A_268[15] : i32 from vector<16xi32>
      %convert_element_type3A_270 = arith.sitofp %reduce_sum3A_269 : i32 to f32
      %eq3A_271 = arith.constant 0 : i32
      %eq3A_272 = arith.cmpi eq, %select_n3A_214, %eq3A_271 : i32
      %eq3A_273 = arith.cmpf oeq, %convert_element_type3A_270, %while3A_171 : f32
      %and3A_274 = arith.andi %eq3A_272, %eq3A_273 : i1
      %select_n3A_275 = arith.select %and3A_274, %bitcast_convert_type3A_259, %select_n3A_213 : f32
      %select_n3A_276 = arith.select %and3A_274, %while3A_169, %select_n3A_214 : i32
      %max3A_277 = arith.constant 5.000000e-01 : f32
      %max3A_278 = arith.maximumf %convert_element_type3A_270, %max3A_277 : f32
      %bitcast_convert_type3A_279 = arith.bitcast %max3A_278 : f32 to i32
      %convert_element_type3A_280 = arith.sitofp %bitcast_convert_type3A_279 : i32 to f32
      %mul3A_281 = arith.constant 1.1920929E-7 : f32
      %mul3A_282 = arith.mulf %convert_element_type3A_280, %mul3A_281 : f32
      %sub3A_283 = arith.constant 1.270000e+02 : f32
      %sub3A_284 = arith.subf %mul3A_282, %sub3A_283 : f32
      %eq3A_285 = arith.constant 0 : i32
      %eq3A_286 = arith.cmpi eq, %select_n3A_276, %eq3A_285 : i32
      %ge3A = arith.cmpf oge, %convert_element_type3A_270, %while3A_171 : f32
      %and3A_287 = arith.andi %eq3A_286, %ge3A : i1
      %lt3A_288 = arith.cmpf olt, %convert_element_type3A_270, %while3A_171 : f32
      %and3A_289 = arith.andi %eq3A_286, %lt3A_288 : i1
      %select_n3A_290 = arith.select %and3A_287, %min3A, %while3A_193 : i32
      %select_n3A_291 = arith.select %and3A_287, %sub3A_284, %while3A_195 : f32
      %select_n3A_292 = arith.select %and3A_289, %min3A, %while3A_194 : i32
      %select_n3A_293 = arith.select %and3A_289, %sub3A_284, %while3A_196 : f32
      %add3A_294 = arith.addi %while3A_192, %while3A_169 : i32
      scf.yield %add3A_294, %select_n3A_290, %select_n3A_292, %select_n3A_291, %select_n3A_293, %select_n3A_276, %select_n3A_275 : i32, i32, i32, f32, f32, i32, f32
    }
    %eq3A_177 = arith.constant 0 : i32
    %eq3A_178 = arith.cmpi eq, %while3A_176#5, %eq3A_177 : i32
    %lt3A_179 = arith.constant 0 : i32
    %lt3A_180 = arith.cmpi slt, %while3A_176#1, %lt3A_179 : i32
    %xor3A_181 = arith.constant 2147483647 : i32
    %xor3A_182 = arith.xori %while3A_176#1, %xor3A_181 : i32
    %select_n3A_183 = arith.select %lt3A_180, %xor3A_182, %while3A_176#1 : i32
    %bitcast_convert_type3A_184 = arith.bitcast %select_n3A_183 : i32 to f32
    %select_n3A_185 = arith.select %eq3A_178, %bitcast_convert_type3A_184, %while3A_176#6 : f32
    %scan3A_186 = arith.constant 0 : i32
    %scan3A_187 = arith.constant 0 : i32
    %scan3A_188 = arith.constant 256 : i32
    %scan3A_189 = arith.addi %scan3A_187, %scan3A_188 : i32
    %scan3A_190 = arith.constant 1 : i32
    scf.for %scan3A_192 = %scan3A_187 to %scan3A_189 step %scan3A_190  : i32 {
      %mul3A_193 = arith.constant 128 : i32
      %mul3A_194 = arith.muli %scan3A_192, %mul3A_193 : i32
      %add3A_195 = arith.constant 0 : i32
      %add3A_196 = arith.addi %mul3A_194, %add3A_195 : i32
      %get3A = arith.index_cast %add3A_196 : i32 to index
      %get3A_197 = tpu.vector_load %arg4[%get3A] {strides = array<i32>} : memref<32768xf32, #tpu.memory_space<vmem>>, vector<16xf32>,
      %ge3A = vector.broadcast %select_n3A_185 : f32 to vector<16xf32>
      %ge3A_198 = arith.cmpf oge, %get3A_197, %ge3A : vector<16xf32>
      %jit3A = arith.constant 0.000000e+00 : f32
      %broadcast_in_dim3A = vector.broadcast %jit3A : f32 to vector<16xf32>
      %select_n3A_199 = arith.select %ge3A_198, %get3A_197, %broadcast_in_dim3A : vector<16xi1>, vector<16xf32>
      %add3A_200 = arith.constant 0 : i32
      %add3A_201 = arith.addi %mul3A_194, %add3A_200 : i32
      %swap3A = arith.index_cast %add3A_201 : i32 to index
      %swap3A_202 = tpu.vector_load %arg4[%swap3A] {strides = array<i32>} : memref<32768xf32, #tpu.memory_space<vmem>>, vector<16xf32>,
      tpu.vector_store %arg4[%swap3A], %select_n3A_199 {strides = array<i32>} : memref<32768xf32, #tpu.memory_space<vmem>>, vector<16xf32>,
      %add3A_203 = arith.constant 16 : i32
      %add3A_204 = arith.addi %mul3A_194, %add3A_203 : i32
      %get3A_205 = arith.index_cast %add3A_204 : i32 to index
      %get3A_206 = tpu.vector_load %arg4[%get3A_205] {strides = array<i32>} : memref<32768xf32, #tpu.memory_space<vmem>>, vector<16xf32>,
      %ge3A_207 = vector.broadcast %select_n3A_185 : f32 to vector<16xf32>
      %ge3A_208 = arith.cmpf oge, %get3A_206, %ge3A_207 : vector<16xf32>
      %jit3A_209 = arith.constant 0.000000e+00 : f32
      %broadcast_in_dim3A_210 = vector.broadcast %jit3A_209 : f32 to vector<16xf32>
      %select_n3A_211 = arith.select %ge3A_208, %get3A_206, %broadcast_in_dim3A_210 : vector<16xi1>, vector<16xf32>
      %add3A_212 = arith.constant 16 : i32
      %add3A_213 = arith.addi %mul3A_194, %add3A_212 : i32
      %swap3A_214 = arith.index_cast %add3A_213 : i32 to index
      %swap3A_215 = tpu.vector_load %arg4[%swap3A_214] {strides = array<i32>} : memref<32768xf32, #tpu.memory_space<vmem>>, vector<16xf32>,
      tpu.vector_store %arg4[%swap3A_214], %select_n3A_211 {strides = array<i32>} : memref<32768xf32, #tpu.memory_space<vmem>>, vector<16xf32>,
      %add3A_216 = arith.constant 32 : i32
      %add3A_217 = arith.addi %mul3A_194, %add3A_216 : i32
      %get3A_218 = arith.index_cast %add3A_217 : i32 to index
      %get3A_219 = tpu.vector_load %arg4[%get3A_218] {strides = array<i32>} : memref<32768xf32, #tpu.memory_space<vmem>>, vector<16xf32>,
      %ge3A_220 = vector.broadcast %select_n3A_185 : f32 to vector<16xf32>
      %ge3A_221 = arith.cmpf oge, %get3A_219, %ge3A_220 : vector<16xf32>
      %jit3A_222 = arith.constant 0.000000e+00 : f32
      %broadcast_in_dim3A_223 = vector.broadcast %jit3A_222 : f32 to vector<16xf32>
      %select_n3A_224 = arith.select %ge3A_221, %get3A_219, %broadcast_in_dim3A_223 : vector<16xi1>, vector<16xf32>
      %add3A_225 = arith.constant 32 : i32
      %add3A_226 = arith.addi %mul3A_194, %add3A_225 : i32
      %swap3A_227 = arith.index_cast %add3A_226 : i32 to index
      %swap3A_228 = tpu.vector_load %arg4[%swap3A_227] {strides = array<i32>} : memref<32768xf32, #tpu.memory_space<vmem>>, vector<16xf32>,
      tpu.vector_store %arg4[%swap3A_227], %select_n3A_224 {strides = array<i32>} : memref<32768xf32, #tpu.memory_space<vmem>>, vector<16xf32>,
      %add3A_229 = arith.constant 48 : i32
      %add3A_230 = arith.addi %mul3A_194, %add3A_229 : i32
      %get3A_231 = arith.index_cast %add3A_230 : i32 to index
      %get3A_232 = tpu.vector_load %arg4[%get3A_231] {strides = array<i32>} : memref<32768xf32, #tpu.memory_space<vmem>>, vector<16xf32>,
      %ge3A_233 = vector.broadcast %select_n3A_185 : f32 to vector<16xf32>
      %ge3A_234 = arith.cmpf oge, %get3A_232, %ge3A_233 : vector<16xf32>
      %jit3A_235 = arith.constant 0.000000e+00 : f32
      %broadcast_in_dim3A_236 = vector.broadcast %jit3A_235 : f32 to vector<16xf32>
      %select_n3A_237 = arith.select %ge3A_234, %get3A_232, %broadcast_in_dim3A_236 : vector<16xi1>, vector<16xf32>
      %add3A_238 = arith.constant 48 : i32
      %add3A_239 = arith.addi %mul3A_194, %add3A_238 : i32
      %swap3A_240 = arith.index_cast %add3A_239 : i32 to index
      %swap3A_241 = tpu.vector_load %arg4[%swap3A_240] {strides = array<i32>} : memref<32768xf32, #tpu.memory_space<vmem>>, vector<16xf32>,
      tpu.vector_store %arg4[%swap3A_240], %select_n3A_237 {strides = array<i32>} : memref<32768xf32, #tpu.memory_space<vmem>>, vector<16xf32>,
      %add3A_242 = arith.constant 64 : i32
      %add3A_243 = arith.addi %mul3A_194, %add3A_242 : i32
      %get3A_244 = arith.index_cast %add3A_243 : i32 to index
      %get3A_245 = tpu.vector_load %arg4[%get3A_244] {strides = array<i32>} : memref<32768xf32, #tpu.memory_space<vmem>>, vector<16xf32>,
      %ge3A_246 = vector.broadcast %select_n3A_185 : f32 to vector<16xf32>
      %ge3A_247 = arith.cmpf oge, %get3A_245, %ge3A_246 : vector<16xf32>
      %jit3A_248 = arith.constant 0.000000e+00 : f32
      %broadcast_in_dim3A_249 = vector.broadcast %jit3A_248 : f32 to vector<16xf32>
      %select_n3A_250 = arith.select %ge3A_247, %get3A_245, %broadcast_in_dim3A_249 : vector<16xi1>, vector<16xf32>
      %add3A_251 = arith.constant 64 : i32
      %add3A_252 = arith.addi %mul3A_194, %add3A_251 : i32
      %swap3A_253 = arith.index_cast %add3A_252 : i32 to index
      %swap3A_254 = tpu.vector_load %arg4[%swap3A_253] {strides = array<i32>} : memref<32768xf32, #tpu.memory_space<vmem>>, vector<16xf32>,
      tpu.vector_store %arg4[%swap3A_253], %select_n3A_250 {strides = array<i32>} : memref<32768xf32, #tpu.memory_space<vmem>>, vector<16xf32>,
      %add3A_255 = arith.constant 80 : i32
      %add3A_256 = arith.addi %mul3A_194, %add3A_255 : i32
      %get3A_257 = arith.index_cast %add3A_256 : i32 to index
      %get3A_258 = tpu.vector_load %arg4[%get3A_257] {strides = array<i32>} : memref<32768xf32, #tpu.memory_space<vmem>>, vector<16xf32>,
      %ge3A_259 = vector.broadcast %select_n3A_185 : f32 to vector<16xf32>
      %ge3A_260 = arith.cmpf oge, %get3A_258, %ge3A_259 : vector<16xf32>
      %jit3A_261 = arith.constant 0.000000e+00 : f32
      %broadcast_in_dim3A_262 = vector.broadcast %jit3A_261 : f32 to vector<16xf32>
      %select_n3A_263 = arith.select %ge3A_260, %get3A_258, %broadcast_in_dim3A_262 : vector<16xi1>, vector<16xf32>
      %add3A_264 = arith.constant 80 : i32
      %add3A_265 = arith.addi %mul3A_194, %add3A_264 : i32
      %swap3A_266 = arith.index_cast %add3A_265 : i32 to index
      %swap3A_267 = tpu.vector_load %arg4[%swap3A_266] {strides = array<i32>} : memref<32768xf32, #tpu.memory_space<vmem>>, vector<16xf32>,
      tpu.vector_store %arg4[%swap3A_266], %select_n3A_263 {strides = array<i32>} : memref<32768xf32, #tpu.memory_space<vmem>>, vector<16xf32>,
      %add3A_268 = arith.constant 96 : i32
      %add3A_269 = arith.addi %mul3A_194, %add3A_268 : i32
      %get3A_270 = arith.index_cast %add3A_269 : i32 to index
      %get3A_271 = tpu.vector_load %arg4[%get3A_270] {strides = array<i32>} : memref<32768xf32, #tpu.memory_space<vmem>>, vector<16xf32>,
      %ge3A_272 = vector.broadcast %select_n3A_185 : f32 to vector<16xf32>
      %ge3A_273 = arith.cmpf oge, %get3A_271, %ge3A_272 : vector<16xf32>
      %jit3A_274 = arith.constant 0.000000e+00 : f32
      %broadcast_in_dim3A_275 = vector.broadcast %jit3A_274 : f32 to vector<16xf32>
      %select_n3A_276 = arith.select %ge3A_273, %get3A_271, %broadcast_in_dim3A_275 : vector<16xi1>, vector<16xf32>
      %add3A_277 = arith.constant 96 : i32
      %add3A_278 = arith.addi %mul3A_194, %add3A_277 : i32
      %swap3A_279 = arith.index_cast %add3A_278 : i32 to index
      %swap3A_280 = tpu.vector_load %arg4[%swap3A_279] {strides = array<i32>} : memref<32768xf32, #tpu.memory_space<vmem>>, vector<16xf32>,
      tpu.vector_store %arg4[%swap3A_279], %select_n3A_276 {strides = array<i32>} : memref<32768xf32, #tpu.memory_space<vmem>>, vector<16xf32>,
      %add3A_281 = arith.constant 112 : i32
      %add3A_282 = arith.addi %mul3A_194, %add3A_281 : i32
      %get3A_283 = arith.index_cast %add3A_282 : i32 to index
      %get3A_284 = tpu.vector_load %arg4[%get3A_283] {strides = array<i32>} : memref<32768xf32, #tpu.memory_space<vmem>>, vector<16xf32>,
      %ge3A_285 = vector.broadcast %select_n3A_185 : f32 to vector<16xf32>
      %ge3A_286 = arith.cmpf oge, %get3A_284, %ge3A_285 : vector<16xf32>
      %jit3A_287 = arith.constant 0.000000e+00 : f32
      %broadcast_in_dim3A_288 = vector.broadcast %jit3A_287 : f32 to vector<16xf32>
      %select_n3A_289 = arith.select %ge3A_286, %get3A_284, %broadcast_in_dim3A_288 : vector<16xi1>, vector<16xf32>
      %add3A_290 = arith.constant 112 : i32
      %add3A_291 = arith.addi %mul3A_194, %add3A_290 : i32
      %swap3A_292 = arith.index_cast %add3A_291 : i32 to index
      %swap3A_293 = tpu.vector_load %arg4[%swap3A_292] {strides = array<i32>} : memref<32768xf32, #tpu.memory_space<vmem>>, vector<16xf32>,
      tpu.vector_store %arg4[%swap3A_292], %select_n3A_289 {strides = array<i32>} : memref<32768xf32, #tpu.memory_space<vmem>>, vector<16xf32>,
    }
    %scan3A_191 = arith.constant 256 : i32
    "tpu.region"() ({
      %run_scoped3A = tpu.sem_alloc : memref<!tpu.dma_semaphore, #tpu.memory_space<semaphore_mem>>
      %dma_start3A = arith.constant 0 : i32
      %dma_start3A_192 = tpu.memref_slice %arg3[%add3A_145, %dma_start3A] : memref<128x32768xf32, #tpu.memory_space<hbm>> -> memref<1x32768xf32, #tpu.memory_space<hbm>>
      %dma_start3A_193 = tpu.memref_squeeze %dma_start3A_192 : memref<1x32768xf32, #tpu.memory_space<hbm>> -> memref<32768xf32, #tpu.memory_space<hbm>>
      %dma_start3A_194 = arith.constant 0 : i32
      %dma_start3A_195 = tpu.memref_slice %arg3[%add3A_145, %dma_start3A_194] : memref<128x32768xf32, #tpu.memory_space<hbm>> -> memref<1x32768xf32, #tpu.memory_space<hbm>>
      %dma_start3A_196 = tpu.memref_squeeze %dma_start3A_195 : memref<1x32768xf32, #tpu.memory_space<hbm>> -> memref<32768xf32, #tpu.memory_space<hbm>>
      tpu.enqueue_dma source(%arg4 : memref<32768xf32, #tpu.memory_space<vmem>>) target(%dma_start3A_196 : memref<32768xf32, #tpu.memory_space<hbm>>) target_semaphore(%run_scoped3A : memref<!tpu.dma_semaphore, #tpu.memory_space<semaphore_mem>>)
      %dma_wait3A = arith.constant 0 : i32
      %dma_wait3A_197 = tpu.memref_slice %arg3[%add3A_145, %dma_wait3A] : memref<128x32768xf32, #tpu.memory_space<hbm>> -> memref<1x32768xf32, #tpu.memory_space<hbm>>
      %dma_wait3A_198 = tpu.memref_squeeze %dma_wait3A_197 : memref<1x32768xf32, #tpu.memory_space<hbm>> -> memref<32768xf32, #tpu.memory_space<hbm>>
      %dma_wait3A_199 = arith.constant 0 : i32
      %dma_wait3A_200 = tpu.memref_slice %arg3[%add3A_145, %dma_wait3A_199] : memref<128x32768xf32, #tpu.memory_space<hbm>> -> memref<1x32768xf32, #tpu.memory_space<hbm>>
      %dma_wait3A_201 = tpu.memref_squeeze %dma_wait3A_200 : memref<1x32768xf32, #tpu.memory_space<hbm>> -> memref<32768xf32, #tpu.memory_space<hbm>>
      tpu.wait_dma2 semaphore(%run_scoped3A : memref<!tpu.dma_semaphore, #tpu.memory_space<semaphore_mem>>) src(%arg4 : memref<32768xf32, #tpu.memory_space<vmem>>) dst(%dma_wait3A_201 : memref<32768xf32, #tpu.memory_space<hbm>>)
      tpu.yield
    }) : () -> ()
    return
  }
}

</mosaic_0001>

<sc_bundles>
// kernel: kernel.3.cloned.1.call-start
scs
__scs_entry_jumppad:
0x0: {  	(pc) =	sbr.rel $0x88, $3  }
0x1: {  	(tag) =	ssettag $0x0;
	lr =	simm.s32 $0x1  }
0x2: {  	[smem:$0x3FA0] =	sst lr;
	_ =	strace $0xD0000000  }
0x3: {  	_ = 	snop  }
0x4: {  	_ = 	snop  }
0x5: {  	_ = 	snop  }
0x6: {  	_ = 	snop  }
0x7: {  	_ = 	snop  }
__scs_overlays_trampoline_lowered:
0x8: {  	[smem:$0x3FAF] =	sst s0  }
0x9: {  	[smem:$0x3FB0] =	sst s1  }
0xa: {  	[smem:$0x3FB1] =	sst s2  }
0xb: {  	[smem:$0x3FB2] =	sst s3  }
0xc: {  	[smem:$0x3FB3] =	sst s4  }
0xd: {  	[smem:$0x3FB4] =	sst s5  }
0xe: {  	[smem:$0x3FB5] =	sst s6  }
0xf: {  	[smem:$0x3FB6] =	sst s7  }
0x10: {  	[smem:$0x3FB7] =	sst s8  }
0x11: {  	[smem:$0x3FB8] =	sst s9;
	s0 =	simm.s32 @!p0 $0x0  }
0x12: {  	s1 =	sld [smem:$0x3F9E];
	s0 =	simm.s32 @p0 $0x1  }
0x13: {  	[smem:$0x3FB9] =	sst s0;
	s0 =	simm.s32 @!p1 $0x0  }
0x14: {  	s2 =	sld [smem:$0x3F9D];
	s0 =	simm.s32 @p1 $0x1  }
0x15: {  	[smem:$0x3FBA] =	sst s0;
	s0 =	simm.s32 @!p2 $0x0  }
0x16: {  	s3 =	sld [smem:$0x3FDB];
	s0 =	simm.s32 @p2 $0x1  }
0x17: {  	s4 =	simm.s32 $0x1BF5;
	[smem:$0x3FBC] =	sst s0  }
0x18: {  	s0 =	sld [smem:$0x3F9F];
	_ =	swait.ge [sflag:s4], $0x0  }
0x19: {  	s7 =	sld [smem:$0x3FA0]  }
0x1a: {  	s8 =	sadd.s32 $0xFFFFE003, lr  }
0x1b: {  	s9 =	sadd.s32 $0xFFFFFEF7, lr;
	s5 =	simm.s32 $0xFFFFFFFF;
	p2 =	slt.u32 s8, $0xFFFFF086  }
0x1c: {  	p1 =	slt.u32 s9, $0xF7A;
	s5 =	simm.s32 @!p2 $0x0  }
0x1d: {  	s5 =	simm.s32 @p1 $0x1;
	p0 =	seq.s32 s7, s2  }
0x1e: {  	s7 =	smul.u32 @!p0 $0xF7A, s2;
	p2 =	seq.s32 @!p0 s5, $0x0  }
0x1f: {  	s9 =	smul.u32 $0xF7A, s1;
	s8 =	simm.s32 @!p0 $0x1BF5;
	p2 =	por !p2, p0  }
0x20: {  	[sflag:s8] =	ssyncset.s32 @!p0 $0xFFFFF086;
	s6 =	sadd.s32 @!p0 s3, s7;
	s7 =	simm.s32 @!p0 $0x108  }
0x21: {  	s3 =	sadd.s32 s3, s9;
	s6 =	sadd.s32 @!p0 $0x88, s6;
	s7 =	simm.s32 @p2 $0x1082  }
0x22: {  	[simem:s7], [sflag:s8] =	dma.local @!p0 [hbm:s6], $0xF7A  }
0x23: {  	s9 =	sor.u32 $0xD0000000, s2;
	s6 =	simm.s32 $0x108;
	_ =	swait.ge @!p0 [sflag:s8], $0x0  }
0x24: {  	s3 =	sadd.s32 $0x88, s3;
	s6 =	simm.s32 @!p1 $0x1082;
	[sflag:s4] =	ssyncset.s32 $0xFFFFF086  }
0x25: {  	[simem:s6], [sflag:s4] =	dma.local [hbm:s3], $0xF7A  }
0x26: {  	[smem:$0x3FA0] =	sst s1;
	(tag) =	ssettag s2;
	_ =	strace s9  }
0x27: {  	s1 =	sld [smem:$0x3FB0]  }
0x28: {  	s2 =	sld [smem:$0x3FB1]  }
0x29: {  	s4 =	sld [smem:$0x3FB3]  }
0x2a: {  	p0 =	seq.s32 s5, $0x0;
	s5 =	sld [smem:$0x3FB4]  }
0x2b: {  	s6 =	sld [smem:$0x3FB5]  }
0x2c: {  	s7 =	sld [smem:$0x3FB6]  }
0x2d: {  	s3 =	simm.s32 $0x108;
	s8 =	sld [smem:$0x3FB7]  }
0x2e: {  	s3 =	simm.s32 @!p0 $0x1082;
	s9 =	sld [smem:$0x3FB8]  }
0x2f: {  	lr =	sadd.s32 s0, s3;
	s0 =	sld [smem:$0x3FAF]  }
0x30: {  	s3 =	sld [smem:$0x3FB2]  }
0x31: {  	[smem:$0x3FBB] =	sst s10  }
0x32: {  	s10 =	sld [smem:$0x3FB9];
	_ =	sdelay $0x3  }
0x33: {  	p0 =	seq.s32 s10, $0x1;
	s10 =	sld [smem:$0x3FBB];
	_ =	sdelay $0x3  }
0x34: {  	[smem:$0x3FBB] =	sst s10  }
0x35: {  	s10 =	sld [smem:$0x3FBA];
	_ =	sdelay $0x3  }
0x36: {  	p1 =	seq.s32 s10, $0x1;
	s10 =	sld [smem:$0x3FBB];
	_ =	sdelay $0x3  }
0x37: {  	[smem:$0x3FBB] =	sst s10  }
0x38: {  	s10 =	sld [smem:$0x3FBC]  }
0x39: {  	_ = 	snop;
	(pc) =	sbr.ind lr, $3  }
0x3a: {  	_ = 	snop  }
0x3b: {  	_ = 	snop  }
0x3c: {  	p2 =	seq.s32 s10, $0x1;
	s10 =	sld [smem:$0x3FBB]  }
0x3d: {  	_ =	shalt  }
0x3e: {  	_ =	shalt  }
0x3f: {  	_ =	shalt  }
0x40: {  	_ =	shalt  }
0x41: {  	_ =	shalt  }
0x42: {  	_ =	shalt  }
0x43: {  	_ =	shalt  }
0x44: {  	_ =	shalt  }
0x45: {  	_ =	shalt  }
0x46: {  	_ =	shalt  }
0x47: {  	_ =	shalt  }
0x48: {  	_ =	shalt  }
0x49: {  	_ =	shalt  }
0x4a: {  	_ =	shalt  }
0x4b: {  	_ =	shalt  }
0x4c: {  	_ =	shalt  }
0x4d: {  	_ =	shalt  }
0x4e: {  	_ =	shalt  }
0x4f: {  	_ =	shalt  }
0x50: {  	_ =	shalt  }
0x51: {  	_ =	shalt  }
0x52: {  	_ =	shalt  }
0x53: {  	_ =	shalt  }
0x54: {  	_ =	shalt  }
0x55: {  	_ =	shalt  }
0x56: {  	_ =	shalt  }
0x57: {  	_ =	shalt  }
0x58: {  	_ =	shalt  }
0x59: {  	_ =	shalt  }
0x5a: {  	_ =	shalt  }
0x5b: {  	_ =	shalt  }
0x5c: {  	_ =	shalt  }
0x5d: {  	_ =	shalt  }
0x5e: {  	_ =	shalt  }
0x5f: {  	_ =	shalt  }
0x60: {  	_ =	shalt  }
0x61: {  	_ =	shalt  }
0x62: {  	_ =	shalt  }
0x63: {  	_ =	shalt  }
0x64: {  	_ =	shalt  }
0x65: {  	_ =	shalt  }
0x66: {  	_ =	shalt  }
0x67: {  	_ =	shalt  }
0x68: {  	_ =	shalt  }
0x69: {  	_ =	shalt  }
0x6a: {  	_ =	shalt  }
0x6b: {  	_ =	shalt  }
0x6c: {  	_ =	shalt  }
0x6d: {  	_ =	shalt  }
0x6e: {  	_ =	shalt  }
0x6f: {  	_ =	shalt  }
0x70: {  	_ =	shalt  }
0x71: {  	_ =	shalt  }
0x72: {  	_ =	shalt  }
0x73: {  	_ =	shalt  }
0x74: {  	_ =	shalt  }
0x75: {  	_ =	shalt  }
0x76: {  	_ =	shalt  }
0x77: {  	_ =	shalt  }
0x78: {  	_ =	shalt  }
0x79: {  	_ =	shalt  }
0x7a: {  	_ =	shalt  }
0x7b: {  	_ =	shalt  }
0x7c: {  	_ =	shalt  }
0x7d: {  	_ =	shalt  }
0x7e: {  	_ =	shalt  }
0x7f: {  	_ =	shalt  }
0x80: {  	_ =	shalt  }
0x81: {  	_ =	shalt  }
0x82: {  	_ =	shalt  }
0x83: {  	_ =	shalt  }
0x84: {  	_ =	shalt  }
0x85: {  	_ =	shalt  }
0x86: {  	_ =	shalt  }
0x87: {  	_ =	shalt  }
.Lfunc_end0:
.L_simem_size_0:
called_computation_lowered:
.L_overlay_start_0:
0x88: {  	s2 =	sld [smem:$0x3FD9]  }
0x89: {  	s3 =	sld [smem:$0x3FFE];
	_ =	sdelay $0x1  }
0x8a: {  	s1 =	srdreg.scid  }
0x8b: {  	s0 =	sand.u32 $0x1, s1  }
0x8c: {  	s18 =	sshll.u32 s0, $0xA;
	s2 =	sadd.s32 s3, s2  }
0x8d: {  	s2 =	sadd.s32 s2, s18  }
0x8e: {  	[smem:$0x3FC7] =	sst s2  }
0x8f: {  	_ = 	snop  }
0x90: {  	s2 =	sld [smem:$0x3FC9]  }
0x91: {  	s19 =	sld [smem:$0x3FD0];
	(tm) =	ssettm $0x1  }
0x92: {  	s4 =	sld [smem:$0x3FFB];
	_ =	sdelay $0x3  }
0x93: {  	_ =	strace s4  }
0x94: {  	s4 =	sld [smem:$0x3FFC];
	_ =	sdelay $0x3  }
0x95: {  	_ =	strace s4  }
0x96: {  	s4 =	sld [smem:$0x3FFD];
	_ =	sdelay $0x3  }
0x97: {  	_ =	strace s4  }
0x98: {  	_ =	strace $0x8FFFFFFF  }
0x99: {  	s20 =	sld [smem:$0x3FDB];
	_ =	sdelay $0x1  }
0x9a: {  	s5 =	simm.s32 $_scs_section_size  }
0x9b: {  	s6 =	simm.s32 $_size__tile_overlayer_lowered;
	s7 =	simm.s32 $_tile_overlayer_lowered  }
0x9c: {  	s23 =	simm.s32 $0x1BFF;
	s22 =	sshll.u32 s7, $0x1;
	s4 =	sadd.s32 s5, s20  }
0x9d: {  	s8 =	simm.s32 $0x0;
	s21 =	sshll.u32 s6, $0x1;
	s6 =	sadd.s32 s22, s4  }
0x9e: {  	[timem:s8], [sflag:s23] =	dma.local [hbm:s6], s21  }
0x9f: {  	_ =	swait.ge [sflag:s23], s21  }
0xa0: {  	s5 =	ssub.s32 $0x0, s21;
	[sflag:s23] =	ssyncset.done $0x0  }
0xa1: {  	[sflag:s23] =	ssyncadd.s32 s5;
	_ =	sdelay $0x1  }
0xa2: {  	s24 =	simm.s32 $0x1B8B  }
0xa3: {  	_ =	swait.ge [sflag:s24], $0x1  }
0xa4: {  	[sflag:s24] =	ssyncset.done $0x0  }
0xa5: {  	s25 =	simm.s32 $0x1B8E;
	[sflag:s24] =	ssyncadd.s32 $0xFFFFFFFF  }
0xa6: {  	s26 =	simm.s32 $execute0_lowered;
	[smem:$0x3FD2] =	sst s25  }
0xa7: {  	s5 =	sshll.u32 s26, $0x1;
	_ =	strace $0x80000046;
	[dreg:$0x1] =	wrdreg $0xFFFFFFFF  }
0xa8: {  	s28 =	simm.s32 $_size_execute0_lowered;
	s4 =	sadd.s32 s4, s5;
	[dreg:$0x0] =	wrdreg $0x0  }
0xa9: {  	s5 =	sshll.u32 s28, $0x1;
	[dreg:$0x2] =	wrdreg s4  }
0xaa: {  	[dreg:$0x3] =	wrdreg s5  }
0xab: {  	[dreg:$0x4] =	wrdreg $0xC0  }
0xac: {  	_ =	task [dreg:s8], $0x5FFFF  }
0xad: {  	[dreg:$0x1] =	wrdreg $0xFFFFFFFF  }
0xae: {  	[dreg:$0x0] =	wrdreg $0x60  }
0xaf: {  	[dreg:$0x2] =	wrdreg s2  }
0xb0: {  	[dreg:$0x3] =	wrdreg s19  }
0xb1: {  	[dreg:$0x4] =	wrdreg $0x9  }
0xb2: {  	_ =	task.clear_ibuf [dreg:s8], $0x5FFFF;
	_ =	strace $0x90000046  }
0xb3: {  	s29 =	simm.s32 $0x9;
	_ =	strace $0x80000048  }
0xb4: {  	_ =	swait.ge [sflag:s29], $0x1  }
0xb5: {  	[sflag:s29] =	ssyncadd.s32 $0xFFFFFFFF  }
0xb6: {  	_ =	strace $0x90000048  }
0xb7: {  	_ =	sfence  }
0xb8: {  	s30 =	sld [smem:$0x0];
	_ =	sdelay $0x2  }
0xb9: {  	s31 =	sshll.u32 s1, $0xD;
	s1 =	sshrl.u32 s1, $0x2  }
0xba: {  	s3 =	sand.u32 $0x4000, s31;
	s1 =	sadd.s32 s1, s30  }
0xbb: {  	s0 =	sor.u32 s3, s0;
	s1 =	sshll.u32 s1, $0x11  }
0xbc: {  	s0 =	sor.u32 s1, s0  }
0xbd: {  	s0 =	sadd.s32 $0x8F2B, s0  }
0xbe: {  	[sflag:s0] =	ssyncadd.remote.s32 $0x1  }
0xbf: {  	_ =	sfence.sel $0xFFFF  }
0xc0: {  	[dreg:$0x0] =	wrdreg $0xFFFFFFFF;
	(pc) =	sbr.abs _section_cstart, $3  }
0xc1: {  	[dreg:$0x1] =	wrdreg $0xFFFFFFFF  }
0xc2: {  	_ =	task.clear_ibuf [dreg:s8], $0x2FFFF;
	_ =	strace $0x9FFFFFFF  }
0xc3: {  	(tm) =	ssettm $0x7FFFFFFF  }
tec
execute0_lowered:
.L_overlay_start_1:
0x0: {  	(tag) =	ssettag $0x1  }
0x1: {  	s9 =	rddreg [dreg:$0x0]  }
0x2: {  	s10 =	rddreg [dreg:$0x1]  }
0x3: {  	s0 =	rddreg [dreg:$0x2];
	s3 =	srdreg.scid  }
0x4: {  	s2 =	simm.s32 $0x0;
	s1 =	stileid.u32;
	s13 =	simm.s32 $0x400  }
0x5: {  	s14 =	simm.s32 $0x1;
	s15 =	simm.s32 $0x0;
	s3 =	sand.u32 $0x1, s3  }
0x6: {  	s5 =	sshll.u32 s1, $0xF;
	s4 =	ssub.s32 $0x2, s3;
	s3 =	sshll.u32 s3, $0x6  }
0x7: {  	[smem:$0x7FF] =	sst s2;
	s6 =	sshrl.u32 s4, $0x1;
	s7 =	sor.u32 s3, s5  }
0x8: {  	_ =	strace $0x80000047;
	s11 =	ssub.s32 s4, s6;
	s31 =	sor.u32 $0x10, s7  }
0x9: {  	s3 =	sadd.s32 s9, s7;
	s4 =	sadd.s32 s10, s7;
	s8 =	sor.u32 $0x20, s7  }
0xa: {  	s12 =	sor.u32 $0x30, s7;
	s5 =	sadd.s32 s9, s31;
	s6 =	sadd.s32 s10, s31  }
0xb: {  	s7 =	sadd.s32 s9, s8;
	s8 =	sadd.s32 s10, s8;
	s9 =	sadd.s32 s9, s12  }
0xc: {  	v0 =	vimm.s32 $0x0;
	s10 =	sadd.s32 s10, s12;
	s11 =	smax.u32 s11, $0x1;
	s12 =	simm.s32 $0x80  }
.LBB2_1:
0xd: {  	[tilespmem:s2], [sflag:$0x1] =	stream.strided.gather [hbm4b:s3+s12], $0x8000, s13, s12, $0x38;
	[tilespmem:$0x8000] =	vst v63  }
0xe: {  	s20 =	simm.s32 $0x807FFFFF  }
0xf: {  	s18 =	simm.s32 $0x7F800001;
	_ =	swait.ge [sflag:s14], $0x8000  }
0x10: {  	s19 =	simm.f32 $1.500000000e+01;
	s17 =	simm.f32 $-1.000000000e+00;
	[sflag:s14] =	ssyncset.done $0x0  }
0x11: {  	s16 =	simm.f32 $0.0e+00;
	s21 =	simm.s32 $0x0;
	[sflag:s14] =	ssyncadd.s32 $0xFFFF8000  }
.LBB2_2:
0x12: {  	s22 =	ssub.f32 s19, s17;
	_ =	sdelay $0x1  }
0x13: {  	s23 =	ssub.s32 $0x7EF127EA, s22  }
0x14: {  	s24 =	smul.f32 s23, s22;
	_ =	sdelay $0x1  }
0x15: {  	s24 =	ssub.f32 $2.000000000e+00, s24;
	_ =	sdelay $0x1  }
0x16: {  	s23 =	smul.f32 s23, s24;
	_ =	sdelay $0x1  }
0x17: {  	s24 =	smul.f32 s23, s22;
	_ =	sdelay $0x1  }
0x18: {  	s24 =	ssub.f32 $2.000000000e+00, s24;
	_ =	sdelay $0x1  }
0x19: {  	s23 =	smul.f32 s24, s23;
	_ =	sdelay $0x1  }
0x1a: {  	s22 =	smul.f32 s23, s22;
	_ =	sdelay $0x1  }
0x1b: {  	p0 =	slt.s32 s20, $0x0;
	s25 =	sxor.u32 $0x7FFFFFFF, s20;
	s31 =	ssub.f32 $2.000000000e+00, s22  }
0x1c: {  	p1 =	slt.s32 s18, $0x0;
	s26 =	sxor.u32 $0x7FFFFFFF, s18;
	s28 =	smov.u32 s18  }
0x1d: {  	s29 =	ssub.f32 $8.353146550e+00, s17;
	s22 =	smov.u32 s20;
	s23 =	smul.f32 s31, s23  }
0x1e: {  	s28 =	smov.u32 @p1 s26;
	s22 =	smov.u32 @p0 s25  }
0x1f: {  	s26 =	ssub.f32 s22, s28;
	s23 =	smul.f32 s23, s29  }
0x20: {  	_ = 	snop  }
0x21: {  	s23 =	smul.f32 s23, s26;
	_ =	sdelay $0x1  }
0x22: {  	s25 =	sadd.f32 s28, s23  }
0x23: {  	s30 =	sand.u32 s18, s20;
	s29 =	sxor.u32 s18, s20  }
0x24: {  	s23 =	sshra.s32 s29, $0x1;
	p0 =	slt.s32 s25, $0x0;
	s24 =	sxor.u32 $0x7FFFFFFF, s25  }
0x25: {  	s23 =	sadd.s32 s23, s30;
	s25 =	smov.u32 @p0 s24;
	p0 =	slt.u32 s21, $0x8  }
0x26: {  	s24 =	sadd.s32 $0x1, s20;
	s23 =	smov.u32 @p0 s25  }
0x27: {  	p0 =	sgt.s32 s24, s23  }
0x28: {  	s31 =	simm.s32 $0x0;
	s25 =	sadd.s32 $0xFFFFFFFF, s18;
	s23 =	smov.u32 @p0 s24  }
0x29: {  	v2 =	vld [tilespmem:s31+$0x0];
	p0 =	slt.s32 s25, s23  }
0x2a: {  	v4 =	vld [tilespmem:s31+$0x10];
	s23 =	smov.u32 @p0 s25  }
0x2b: {  	v6 =	vld [tilespmem:s31+$0x20];
	p0 =	slt.s32 s23, $0x0;
	s26 =	sxor.u32 $0x7FFFFFFF, s23;
	s25 =	smov.u32 s23  }
0x2c: {  	v5 =	vld [tilespmem:s31+$0x30];
	s25 =	smov.u32 @p0 s26  }
0x2d: {  	v3 =	vld [tilespmem:s31+$0x40];
	v1 =	vmov s25  }
0x2e: {  	vm0 =	vge.f32 v2, v1;
	v2 =	vld [tilespmem:s31+$0x50]  }
0x2f: {  	v7 =	vimm.s32 $0x0;
	v8 =	vsel vm0, $0x1, v0;
	vm0 =	vge.f32 v4, v1;
	v4 =	vld [tilespmem:s31+$0x60]  }
0x30: {  	s28 =	simm.s32 $0x400;
	s26 =	simm.s32 $0x80;
	v7 =	vadd.s32 v8, v7;
	v8 =	vsel vm0, $0x1, v0;
	vm0 =	vge.f32 v6, v1;
	v6 =	vld [tilespmem:s31+$0x70]  }
.LBB2_3:
0x31: {  	p0 =	sne.s32 s28, $0x1FE00;
	v9 =	vld [tilespmem:s26+$0x0];
	v7 =	vadd.s32 v8, v7;
	v8 =	vsel vm0, $0x1, v0;
	vm0 =	vge.f32 v5, v1  }
0x32: {  	v10 =	vld [tilespmem:s26+$0x10];
	v5 =	vadd.s32 v8, v7;
	v7 =	vsel vm0, $0x1, v0;
	vm0 =	vge.f32 v3, v1  }
0x33: {  	v11 =	vld [tilespmem:s26+$0x20];
	v3 =	vadd.s32 v7, v5;
	v7 =	vsel vm0, $0x1, v0;
	vm0 =	vge.f32 v2, v1  }
.Ltmp0:
0x34: {  	v5 =	vld [tilespmem:s26+$0x30];
	v2 =	vadd.s32 v7, v3;
	v7 =	vsel vm0, $0x1, v0;
	vm0 =	vge.f32 v4, v1;
	(pc) =	sbr.rel @p0 .LBB2_3-.Ltmp0, $4  }
0x35: {  	v3 =	vld [tilespmem:s26+$0x40];
	v4 =	vadd.s32 v7, v2;
	v7 =	vsel vm0, $0x1, v0;
	vm0 =	vge.f32 v6, v1  }
0x36: {  	vm1 =	vge.f32 v9, v1;
	v2 =	vld [tilespmem:s26+$0x50];
	v6 =	vadd.s32 v7, v4;
	v7 =	vsel vm0, $0x1, v0  }
0x37: {  	v8 =	vsel vm1, $0x1, v0;
	vm0 =	vge.f32 v10, v1;
	v4 =	vld [tilespmem:s26+$0x60];
	v6 =	vadd.s32 v7, v6  }
0x38: {  	v7 =	vadd.s32 v8, v6;
	v8 =	vsel vm0, $0x1, v0;
	vm0 =	vge.f32 v11, v1;
	v6 =	vld [tilespmem:s26+$0x70];
	s26 =	sshra.s32 s28, $0x2;
	s28 =	sadd.s32 $0x200, s28  }
0x39: {  	v9 =	vld [tilespmem:s26+$0x0];
	v7 =	vadd.s32 v8, v7;
	v49 =	vsel vm0, $0x1, v0;
	vm4 =	vge.f32 v5, v1  }
0x3a: {  	v50 =	vld [tilespmem:s26+$0x10];
	v7 =	vadd.s32 v49, v7;
	v51 =	vsel vm4, $0x1, v0;
	vm5 =	vge.f32 v3, v1  }
0x3b: {  	v3 =	vld [tilespmem:s26+$0x20];
	v7 =	vadd.s32 v51, v7;
	v52 =	vsel vm5, $0x1, v0;
	vm6 =	vge.f32 v2, v1  }
0x3c: {  	v2 =	vld [tilespmem:s26+$0x30];
	v7 =	vadd.s32 v52, v7;
	v53 =	vsel vm6, $0x1, v0;
	vm7 =	vge.f32 v4, v1  }
0x3d: {  	v54 =	vld [tilespmem:s26+$0x40];
	v7 =	vadd.s32 v53, v7;
	v55 =	vsel vm7, $0x1, v0;
	vm8 =	vge.f32 v6, v1  }
0x3e: {  	v56 =	vld [tilespmem:s26+$0x50];
	vm1 =	vge.f32 v9, v1;
	v7 =	vadd.s32 v55, v7;
	v57 =	vsel vm8, $0x1, v0  }
0x3f: {  	v58 =	vld [tilespmem:s26+$0x60];
	vm9 =	vge.f32 v50, v1;
	v9 =	vsel vm1, $0x1, v0;
	v7 =	vadd.s32 v57, v7  }
0x40: {  	v59 =	vsel vm9, $0x1, v0;
	vm10 =	vge.f32 v3, v1;
	v3 =	vld [tilespmem:s26+$0x70];
	v7 =	vadd.s32 v9, v7  }
0x41: {  	v60 =	vsel vm10, $0x1, v0;
	vm11 =	vge.f32 v2, v1;
	v7 =	vadd.s32 v59, v7  }
0x42: {  	vm12 =	vge.f32 v54, v1;
	v61 =	vsel vm11, $0x1, v0;
	v2 =	vadd.s32 v60, v7  }
0x43: {  	vm13 =	vge.f32 v56, v1;
	v4 =	vsel vm12, $0x1, v0;
	v2 =	vadd.s32 v61, v2  }
0x44: {  	vm14 =	vge.f32 v58, v1;
	v62 =	vsel vm13, $0x1, v0;
	v2 =	vadd.s32 v4, v2  }
0x45: {  	v63 =	vsel vm14, $0x1, v0;
	vm15 =	vge.f32 v3, v1;
	v2 =	vadd.s32 v62, v2  }
0x46: {  	v1 =	vadd.s32 v63, v2;
	v2 =	vsel vm15, $0x1, v0  }
0x47: {  	v1 =	vadd.s32 v2, v1  }
0x48: {  	(xrf0) =	vadd.scan.msk.s32 $0xffff, v1;
	_ =	sdelay $0x5  }
0x49: {  	v1, _, _ =	vpop (xrf0)  }
0x4a: {  	(v2sf) =	vpush v1, $0xF;
	_ =	sdelay $0xe  }
0x4b: {  	s31 =	spop (v2sf)  }
0x4c: {  	s28 =	scvt.s32.f32 s31;
	_ =	sdelay $0x1  }
0x4d: {  	s28 =	smax.f32 s28, $5.000000000e-01  }
0x4e: {  	s28 =	scvt.s32.f32 s28  }
0x4f: {  	p1 =	seq.s32 s18, s24;
	s24 =	smov.u32 s23  }
0x50: {  	p2 =	seq.s32 s31, $0x147;
	p3 =	slt.s32 s31, $0x147;
	s28 =	smul.f32 $1.192092900e-07, s28  }
0x51: {  	p4 =	sgt.s32 s31, $0x146;
	p0 =	por p1, p2;
	s16 =	smov.u32 @p2 s25  }
0x52: {  	p2 =	por p1, p4;
	p3 =	por p3, p0;
	s28 =	sadd.f32 $-1.270000000e+02, s28  }
0x53: {  	p6 =	sgt.u32 s21, $0x30;
	s23 =	smov.u32 @p2 s18;
	s24 =	smov.u32 @p3 s20  }
0x54: {  	s20 =	smov.u32 s28;
	s28 =	smov.u32 @p2 s17;
	p2 =	por p6, p0  }
.Ltmp1:
0x55: {  	_ = 	snop;
	(pc) =	sbr.rel @!p2 .LBB2_2-.Ltmp1, $4  }
0x56: {  	_ = 	snop  }
0x57: {  	s21 =	sadd.s32 $0x1, s21  }
0x58: {  	s16 =	smov.u32 @p1 s22;
	s18 =	smov.u32 s23;
	s20 =	smov.u32 @p3 s19  }
0x59: {  	s17 =	smov.u32 s28;
	s19 =	smov.u32 s20;
	s20 =	smov.u32 s24  }
0x5a: {  	s17 =	simm.s32 $0x0  }
0x5b: {  	v5 =	vld [tilespmem:s17+$0x0]  }
0x5c: {  	p1 =	slt.s32 s24, $0x0;
	s18 =	sxor.u32 $0x7FFFFFFF, s24;
	v7 =	vld [tilespmem:s17+$0x10]  }
0x5d: {  	s24 =	smov.u32 @p1 s18;
	v6 =	vld [tilespmem:s17+$0x20]  }
0x5e: {  	v4 =	vld [tilespmem:s17+$0x30];
	s24 =	smov.u32 @p0 s16  }
0x5f: {  	v2 =	vld [tilespmem:s17+$0x40];
	v1 =	vmov s24  }
0x60: {  	v3 =	vld [tilespmem:s17+$0x50];
	vm0 =	vge.f32 v5, v1  }
0x61: {  	s16 =	simm.s32 $0x200;
	v8 =	vnsel vm0, $0x0, v5;
	vm0 =	vge.f32 v7, v1;
	v5 =	vld [tilespmem:s17+$0x60]  }
.LBB2_6:
0x62: {  	s18 =	sshra.s32 s16, $0x2;
	p0 =	sne.s32 s16, $0x1FE00;
	[tilespmem:s17+$0x0] =	vst v8;
	v7 =	vnsel vm0, $0x0, v7;
	vm0 =	vge.f32 v6, v1;
	v8 =	vld [tilespmem:s17+$0x70]  }
0x63: {  	v9 =	vld [tilespmem:s18+$0x0];
	[tilespmem:s17+$0x10] =	vst v7;
	v6 =	vnsel vm0, $0x0, v6;
	vm0 =	vge.f32 v4, v1  }
0x64: {  	v7 =	vld [tilespmem:s18+$0x10];
	[tilespmem:s17+$0x20] =	vst v6;
	v4 =	vnsel vm0, $0x0, v4;
	vm0 =	vge.f32 v2, v1  }
.Ltmp2:
0x65: {  	v6 =	vld [tilespmem:s18+$0x20];
	[tilespmem:s17+$0x30] =	vst v4;
	v2 =	vnsel vm0, $0x0, v2;
	vm0 =	vge.f32 v3, v1;
	(pc) =	sbr.rel @p0 .LBB2_6-.Ltmp2, $4  }
0x66: {  	v4 =	vld [tilespmem:s18+$0x30];
	[tilespmem:s17+$0x40] =	vst v2;
	v3 =	vnsel vm0, $0x0, v3;
	vm0 =	vge.f32 v5, v1  }
0x67: {  	v2 =	vld [tilespmem:s18+$0x40];
	[tilespmem:s17+$0x50] =	vst v3;
	v5 =	vnsel vm0, $0x0, v5;
	vm0 =	vge.f32 v8, v1  }
0x68: {  	vm1 =	vge.f32 v9, v1;
	v3 =	vld [tilespmem:s18+$0x50];
	[tilespmem:s17+$0x60] =	vst v5;
	v10 =	vnsel vm0, $0x0, v8  }
0x69: {  	s16 =	sadd.s32 $0x200, s16;
	v8 =	vnsel vm1, $0x0, v9;
	vm0 =	vge.f32 v7, v1;
	v5 =	vld [tilespmem:s18+$0x60];
	[tilespmem:s17+$0x70] =	vst v10;
	s17 =	smov.u32 s18  }
0x6a: {  	[tilespmem:s17+$0x0] =	vst v8;
	v7 =	vnsel vm0, $0x0, v7;
	vm10 =	vge.f32 v6, v1;
	v63 =	vld [tilespmem:s17+$0x70]  }
0x6b: {  	[tilespmem:s17+$0x10] =	vst v7;
	v6 =	vnsel vm10, $0x0, v6;
	vm11 =	vge.f32 v4, v1  }
0x6c: {  	[tilespmem:s17+$0x20] =	vst v6;
	v4 =	vnsel vm11, $0x0, v4;
	vm12 =	vge.f32 v2, v1  }
0x6d: {  	[tilespmem:s17+$0x30] =	vst v4;
	v2 =	vnsel vm12, $0x0, v2;
	vm13 =	vge.f32 v3, v1  }
0x6e: {  	[tilespmem:s17+$0x40] =	vst v2;
	v2 =	vnsel vm13, $0x0, v3;
	vm14 =	vge.f32 v5, v1  }
0x6f: {  	[tilespmem:s17+$0x50] =	vst v2;
	v2 =	vnsel vm14, $0x0, v5;
	vm15 =	vge.f32 v63, v1  }
0x70: {  	[tilespmem:s17+$0x60] =	vst v2;
	v1 =	vnsel vm15, $0x0, v63  }
0x71: {  	[tilespmem:s17+$0x70] =	vst v1;
	s17 =	simm.s32 $0x0  }
0x72: {  	[hbm4b:s4+s12] =	stream.strided.scatter [tilespmem:s17], [sflag:$0x1], $0x8000, s13, s12, $0x38;
	[tilespmem:$0x8000] =	vst v63  }
0x73: {  	_ =	swait.ge [sflag:s14], $0x8000  }
0x74: {  	[sflag:s14] =	ssyncset.done $0x0  }
0x75: {  	[sflag:s14] =	ssyncadd.s32 $0xFFFF8000  }
0x76: {  	[tilespmem:s17], [sflag:$0x1] =	stream.strided.gather [hbm4b:s5+s12], $0x8000, s13, s12, $0x38;
	[tilespmem:$0x8000] =	vst v63  }
0x77: {  	s21 =	simm.s32 $0x807FFFFF;
	_ =	swait.ge [sflag:s14], $0x8000  }
0x78: {  	s19 =	simm.s32 $0x7F800001;
	s20 =	simm.f32 $1.500000000e+01;
	[sflag:s14] =	ssyncset.done $0x0  }
0x79: {  	s18 =	simm.f32 $-1.000000000e+00;
	s16 =	simm.f32 $0.0e+00;
	[sflag:s14] =	ssyncadd.s32 $0xFFFF8000  }
.LBB2_8:
0x7a: {  	s22 =	ssub.f32 s20, s18;
	_ =	sdelay $0x1  }
0x7b: {  	s23 =	ssub.s32 $0x7EF127EA, s22  }
0x7c: {  	s24 =	smul.f32 s23, s22;
	_ =	sdelay $0x1  }
0x7d: {  	s24 =	ssub.f32 $2.000000000e+00, s24;
	_ =	sdelay $0x1  }
0x7e: {  	s23 =	smul.f32 s23, s24;
	_ =	sdelay $0x1  }
0x7f: {  	s24 =	smul.f32 s23, s22;
	_ =	sdelay $0x1  }
0x80: {  	s24 =	ssub.f32 $2.000000000e+00, s24;
	_ =	sdelay $0x1  }
0x81: {  	s23 =	smul.f32 s24, s23;
	_ =	sdelay $0x1  }
0x82: {  	s22 =	smul.f32 s23, s22;
	_ =	sdelay $0x1  }
0x83: {  	p0 =	slt.s32 s21, $0x0;
	s25 =	sxor.u32 $0x7FFFFFFF, s21;
	s31 =	ssub.f32 $2.000000000e+00, s22  }
0x84: {  	p1 =	slt.s32 s19, $0x0;
	s26 =	sxor.u32 $0x7FFFFFFF, s19;
	s28 =	smov.u32 s19  }
0x85: {  	s29 =	ssub.f32 $8.353146550e+00, s18;
	s22 =	smov.u32 s21;
	s23 =	smul.f32 s31, s23  }
0x86: {  	s28 =	smov.u32 @p1 s26;
	s22 =	smov.u32 @p0 s25  }
0x87: {  	s26 =	ssub.f32 s22, s28;
	s23 =	smul.f32 s23, s29  }
0x88: {  	_ = 	snop  }
0x89: {  	s23 =	smul.f32 s23, s26;
	_ =	sdelay $0x1  }
0x8a: {  	s25 =	sadd.f32 s28, s23  }
0x8b: {  	s30 =	sand.u32 s19, s21;
	s29 =	sxor.u32 s19, s21  }
0x8c: {  	s23 =	sshra.s32 s29, $0x1;
	p0 =	slt.s32 s25, $0x0;
	s24 =	sxor.u32 $0x7FFFFFFF, s25  }
0x8d: {  	s23 =	sadd.s32 s23, s30;
	s25 =	smov.u32 @p0 s24;
	p0 =	slt.u32 s17, $0x8  }
0x8e: {  	s24 =	sadd.s32 $0x1, s21;
	s23 =	smov.u32 @p0 s25  }
0x8f: {  	p0 =	sgt.s32 s24, s23  }
0x90: {  	s31 =	simm.s32 $0x0;
	s25 =	sadd.s32 $0xFFFFFFFF, s19;
	s23 =	smov.u32 @p0 s24  }
0x91: {  	v2 =	vld [tilespmem:s31+$0x0];
	p0 =	slt.s32 s25, s23  }
0x92: {  	v4 =	vld [tilespmem:s31+$0x10];
	s23 =	smov.u32 @p0 s25  }
0x93: {  	v6 =	vld [tilespmem:s31+$0x20];
	p0 =	slt.s32 s23, $0x0;
	s26 =	sxor.u32 $0x7FFFFFFF, s23;
	s25 =	smov.u32 s23  }
0x94: {  	v5 =	vld [tilespmem:s31+$0x30];
	s25 =	smov.u32 @p0 s26  }
0x95: {  	v3 =	vld [tilespmem:s31+$0x40];
	v1 =	vmov s25  }
0x96: {  	vm0 =	vge.f32 v2, v1;
	v2 =	vld [tilespmem:s31+$0x50]  }
0x97: {  	v7 =	vimm.s32 $0x0;
	v8 =	vsel vm0, $0x1, v0;
	vm0 =	vge.f32 v4, v1;
	v4 =	vld [tilespmem:s31+$0x60]  }
0x98: {  	s28 =	simm.s32 $0x400;
	s26 =	simm.s32 $0x80;
	v7 =	vadd.s32 v8, v7;
	v8 =	vsel vm0, $0x1, v0;
	vm0 =	vge.f32 v6, v1;
	v6 =	vld [tilespmem:s31+$0x70]  }
.LBB2_9:
0x99: {  	p0 =	sne.s32 s28, $0x1FE00;
	v9 =	vld [tilespmem:s26+$0x0];
	v7 =	vadd.s32 v8, v7;
	v8 =	vsel vm0, $0x1, v0;
	vm0 =	vge.f32 v5, v1  }
0x9a: {  	v10 =	vld [tilespmem:s26+$0x10];
	v5 =	vadd.s32 v8, v7;
	v7 =	vsel vm0, $0x1, v0;
	vm0 =	vge.f32 v3, v1  }
0x9b: {  	v11 =	vld [tilespmem:s26+$0x20];
	v3 =	vadd.s32 v7, v5;
	v7 =	vsel vm0, $0x1, v0;
	vm0 =	vge.f32 v2, v1  }
.Ltmp3:
0x9c: {  	v5 =	vld [tilespmem:s26+$0x30];
	v2 =	vadd.s32 v7, v3;
	v7 =	vsel vm0, $0x1, v0;
	vm0 =	vge.f32 v4, v1;
	(pc) =	sbr.rel @p0 .LBB2_9-.Ltmp3, $4  }
0x9d: {  	v3 =	vld [tilespmem:s26+$0x40];
	v4 =	vadd.s32 v7, v2;
	v7 =	vsel vm0, $0x1, v0;
	vm0 =	vge.f32 v6, v1  }
0x9e: {  	vm1 =	vge.f32 v9, v1;
	v2 =	vld [tilespmem:s26+$0x50];
	v6 =	vadd.s32 v7, v4;
	v7 =	vsel vm0, $0x1, v0  }
0x9f: {  	v8 =	vsel vm1, $0x1, v0;
	vm0 =	vge.f32 v10, v1;
	v4 =	vld [tilespmem:s26+$0x60];
	v6 =	vadd.s32 v7, v6  }
0xa0: {  	v7 =	vadd.s32 v8, v6;
	v8 =	vsel vm0, $0x1, v0;
	vm0 =	vge.f32 v11, v1;
	v6 =	vld [tilespmem:s26+$0x70];
	s26 =	sshra.s32 s28, $0x2;
	s28 =	sadd.s32 $0x200, s28  }
0xa1: {  	v9 =	vld [tilespmem:s26+$0x0];
	v7 =	vadd.s32 v8, v7;
	v49 =	vsel vm0, $0x1, v0;
	vm4 =	vge.f32 v5, v1  }
0xa2: {  	v50 =	vld [tilespmem:s26+$0x10];
	v7 =	vadd.s32 v49, v7;
	v51 =	vsel vm4, $0x1, v0;
	vm5 =	vge.f32 v3, v1  }
0xa3: {  	v3 =	vld [tilespmem:s26+$0x20];
	v7 =	vadd.s32 v51, v7;
	v52 =	vsel vm5, $0x1, v0;
	vm6 =	vge.f32 v2, v1  }
0xa4: {  	v2 =	vld [tilespmem:s26+$0x30];
	v7 =	vadd.s32 v52, v7;
	v53 =	vsel vm6, $0x1, v0;
	vm7 =	vge.f32 v4, v1  }
0xa5: {  	v54 =	vld [tilespmem:s26+$0x40];
	v7 =	vadd.s32 v53, v7;
	v55 =	vsel vm7, $0x1, v0;
	vm8 =	vge.f32 v6, v1  }
0xa6: {  	v56 =	vld [tilespmem:s26+$0x50];
	vm1 =	vge.f32 v9, v1;
	v7 =	vadd.s32 v55, v7;
	v57 =	vsel vm8, $0x1, v0  }
0xa7: {  	v58 =	vld [tilespmem:s26+$0x60];
	vm9 =	vge.f32 v50, v1;
	v9 =	vsel vm1, $0x1, v0;
	v7 =	vadd.s32 v57, v7  }
0xa8: {  	v59 =	vsel vm9, $0x1, v0;
	vm10 =	vge.f32 v3, v1;
	v3 =	vld [tilespmem:s26+$0x70];
	v7 =	vadd.s32 v9, v7  }
0xa9: {  	v60 =	vsel vm10, $0x1, v0;
	vm11 =	vge.f32 v2, v1;
	v7 =	vadd.s32 v59, v7  }
0xaa: {  	vm12 =	vge.f32 v54, v1;
	v61 =	vsel vm11, $0x1, v0;
	v2 =	vadd.s32 v60, v7  }
0xab: {  	vm13 =	vge.f32 v56, v1;
	v4 =	vsel vm12, $0x1, v0;
	v2 =	vadd.s32 v61, v2  }
0xac: {  	vm14 =	vge.f32 v58, v1;
	v62 =	vsel vm13, $0x1, v0;
	v2 =	vadd.s32 v4, v2  }
0xad: {  	v63 =	vsel vm14, $0x1, v0;
	vm15 =	vge.f32 v3, v1;
	v2 =	vadd.s32 v62, v2  }
0xae: {  	v1 =	vadd.s32 v63, v2;
	v2 =	vsel vm15, $0x1, v0  }
0xaf: {  	v1 =	vadd.s32 v2, v1  }
0xb0: {  	(xrf0) =	vadd.scan.msk.s32 $0xffff, v1;
	_ =	sdelay $0x5  }
0xb1: {  	v1, _, _ =	vpop (xrf0)  }
0xb2: {  	(v2sf) =	vpush v1, $0xF;
	_ =	sdelay $0xe  }
0xb3: {  	s31 =	spop (v2sf)  }
0xb4: {  	s28 =	scvt.s32.f32 s31;
	_ =	sdelay $0x1  }
0xb5: {  	s28 =	smax.f32 s28, $5.000000000e-01  }
0xb6: {  	s28 =	scvt.s32.f32 s28  }
0xb7: {  	p1 =	seq.s32 s19, s24;
	s24 =	smov.u32 s23  }
0xb8: {  	p2 =	seq.s32 s31, $0x147;
	p3 =	slt.s32 s31, $0x147;
	s28 =	smul.f32 $1.192092900e-07, s28  }
0xb9: {  	p4 =	sgt.s32 s31, $0x146;
	p0 =	por p1, p2;
	s16 =	smov.u32 @p2 s25  }
0xba: {  	p2 =	por p1, p4;
	p3 =	por p3, p0;
	s28 =	sadd.f32 $-1.270000000e+02, s28  }
0xbb: {  	p6 =	sgt.u32 s17, $0x30;
	s23 =	smov.u32 @p2 s19;
	s24 =	smov.u32 @p3 s21  }
0xbc: {  	s21 =	smov.u32 s28;
	s28 =	smov.u32 @p2 s18;
	p2 =	por p6, p0  }
.Ltmp4:
0xbd: {  	_ = 	snop;
	(pc) =	sbr.rel @!p2 .LBB2_8-.Ltmp4, $4  }
0xbe: {  	_ = 	snop  }
0xbf: {  	s17 =	sadd.s32 $0x1, s17  }
0xc0: {  	s16 =	smov.u32 @p1 s22;
	s19 =	smov.u32 s23;
	s21 =	smov.u32 @p3 s20  }
0xc1: {  	s18 =	smov.u32 s28;
	s20 =	smov.u32 s21;
	s21 =	smov.u32 s24  }
0xc2: {  	s17 =	simm.s32 $0x0  }
0xc3: {  	v5 =	vld [tilespmem:s17+$0x0]  }
0xc4: {  	p1 =	slt.s32 s24, $0x0;
	s18 =	sxor.u32 $0x7FFFFFFF, s24;
	v7 =	vld [tilespmem:s17+$0x10]  }
0xc5: {  	s24 =	smov.u32 @p1 s18;
	v6 =	vld [tilespmem:s17+$0x20]  }
0xc6: {  	v4 =	vld [tilespmem:s17+$0x30];
	s24 =	smov.u32 @p0 s16  }
0xc7: {  	v2 =	vld [tilespmem:s17+$0x40];
	v1 =	vmov s24  }
0xc8: {  	v3 =	vld [tilespmem:s17+$0x50];
	vm0 =	vge.f32 v5, v1  }
0xc9: {  	s16 =	simm.s32 $0x200;
	v8 =	vnsel vm0, $0x0, v5;
	vm0 =	vge.f32 v7, v1;
	v5 =	vld [tilespmem:s17+$0x60]  }
.LBB2_12:
0xca: {  	s18 =	sshra.s32 s16, $0x2;
	p0 =	sne.s32 s16, $0x1FE00;
	[tilespmem:s17+$0x0] =	vst v8;
	v7 =	vnsel vm0, $0x0, v7;
	vm0 =	vge.f32 v6, v1;
	v8 =	vld [tilespmem:s17+$0x70]  }
0xcb: {  	v9 =	vld [tilespmem:s18+$0x0];
	[tilespmem:s17+$0x10] =	vst v7;
	v6 =	vnsel vm0, $0x0, v6;
	vm0 =	vge.f32 v4, v1  }
0xcc: {  	v7 =	vld [tilespmem:s18+$0x10];
	[tilespmem:s17+$0x20] =	vst v6;
	v4 =	vnsel vm0, $0x0, v4;
	vm0 =	vge.f32 v2, v1  }
.Ltmp5:
0xcd: {  	v6 =	vld [tilespmem:s18+$0x20];
	[tilespmem:s17+$0x30] =	vst v4;
	v2 =	vnsel vm0, $0x0, v2;
	vm0 =	vge.f32 v3, v1;
	(pc) =	sbr.rel @p0 .LBB2_12-.Ltmp5, $4  }
0xce: {  	v4 =	vld [tilespmem:s18+$0x30];
	[tilespmem:s17+$0x40] =	vst v2;
	v3 =	vnsel vm0, $0x0, v3;
	vm0 =	vge.f32 v5, v1  }
0xcf: {  	v2 =	vld [tilespmem:s18+$0x40];
	[tilespmem:s17+$0x50] =	vst v3;
	v5 =	vnsel vm0, $0x0, v5;
	vm0 =	vge.f32 v8, v1  }
0xd0: {  	vm1 =	vge.f32 v9, v1;
	v3 =	vld [tilespmem:s18+$0x50];
	[tilespmem:s17+$0x60] =	vst v5;
	v10 =	vnsel vm0, $0x0, v8  }
0xd1: {  	s16 =	sadd.s32 $0x200, s16;
	v8 =	vnsel vm1, $0x0, v9;
	vm0 =	vge.f32 v7, v1;
	v5 =	vld [tilespmem:s18+$0x60];
	[tilespmem:s17+$0x70] =	vst v10;
	s17 =	smov.u32 s18  }
0xd2: {  	[tilespmem:s17+$0x0] =	vst v8;
	v7 =	vnsel vm0, $0x0, v7;
	vm10 =	vge.f32 v6, v1;
	v63 =	vld [tilespmem:s17+$0x70]  }
0xd3: {  	[tilespmem:s17+$0x10] =	vst v7;
	v6 =	vnsel vm10, $0x0, v6;
	vm11 =	vge.f32 v4, v1  }
0xd4: {  	[tilespmem:s17+$0x20] =	vst v6;
	v4 =	vnsel vm11, $0x0, v4;
	vm12 =	vge.f32 v2, v1  }
0xd5: {  	[tilespmem:s17+$0x30] =	vst v4;
	v2 =	vnsel vm12, $0x0, v2;
	vm13 =	vge.f32 v3, v1  }
0xd6: {  	[tilespmem:s17+$0x40] =	vst v2;
	v2 =	vnsel vm13, $0x0, v3;
	vm14 =	vge.f32 v5, v1  }
0xd7: {  	[tilespmem:s17+$0x50] =	vst v2;
	v2 =	vnsel vm14, $0x0, v5;
	vm15 =	vge.f32 v63, v1  }
0xd8: {  	[tilespmem:s17+$0x60] =	vst v2;
	v1 =	vnsel vm15, $0x0, v63  }
0xd9: {  	[tilespmem:s17+$0x70] =	vst v1;
	s17 =	simm.s32 $0x0  }
0xda: {  	[hbm4b:s6+s12] =	stream.strided.scatter [tilespmem:s17], [sflag:$0x1], $0x8000, s13, s12, $0x38;
	[tilespmem:$0x8000] =	vst v63  }
0xdb: {  	_ =	swait.ge [sflag:s14], $0x8000  }
0xdc: {  	[sflag:s14] =	ssyncset.done $0x0  }
0xdd: {  	[sflag:s14] =	ssyncadd.s32 $0xFFFF8000  }
0xde: {  	[tilespmem:s17], [sflag:$0x1] =	stream.strided.gather [hbm4b:s7+s12], $0x8000, s13, s12, $0x38;
	[tilespmem:$0x8000] =	vst v63  }
0xdf: {  	s21 =	simm.s32 $0x807FFFFF;
	_ =	swait.ge [sflag:s14], $0x8000  }
0xe0: {  	s19 =	simm.s32 $0x7F800001;
	s20 =	simm.f32 $1.500000000e+01;
	[sflag:s14] =	ssyncset.done $0x0  }
0xe1: {  	s18 =	simm.f32 $-1.000000000e+00;
	s16 =	simm.f32 $0.0e+00;
	[sflag:s14] =	ssyncadd.s32 $0xFFFF8000  }
.LBB2_14:
0xe2: {  	s22 =	ssub.f32 s20, s18;
	_ =	sdelay $0x1  }
0xe3: {  	s23 =	ssub.s32 $0x7EF127EA, s22  }
0xe4: {  	s24 =	smul.f32 s23, s22;
	_ =	sdelay $0x1  }
0xe5: {  	s24 =	ssub.f32 $2.000000000e+00, s24;
	_ =	sdelay $0x1  }
0xe6: {  	s23 =	smul.f32 s23, s24;
	_ =	sdelay $0x1  }
0xe7: {  	s24 =	smul.f32 s23, s22;
	_ =	sdelay $0x1  }
0xe8: {  	s24 =	ssub.f32 $2.000000000e+00, s24;
	_ =	sdelay $0x1  }
0xe9: {  	s23 =	smul.f32 s24, s23;
	_ =	sdelay $0x1  }
0xea: {  	s22 =	smul.f32 s23, s22;
	_ =	sdelay $0x1  }
0xeb: {  	p0 =	slt.s32 s21, $0x0;
	s25 =	sxor.u32 $0x7FFFFFFF, s21;
	s31 =	ssub.f32 $2.000000000e+00, s22  }
0xec: {  	p1 =	slt.s32 s19, $0x0;
	s26 =	sxor.u32 $0x7FFFFFFF, s19;
	s28 =	smov.u32 s19  }
0xed: {  	s29 =	ssub.f32 $8.353146550e+00, s18;
	s22 =	smov.u32 s21;
	s23 =	smul.f32 s31, s23  }
0xee: {  	s28 =	smov.u32 @p1 s26;
	s22 =	smov.u32 @p0 s25  }
0xef: {  	s26 =	ssub.f32 s22, s28;
	s23 =	smul.f32 s23, s29  }
0xf0: {  	_ = 	snop  }
0xf1: {  	s23 =	smul.f32 s23, s26;
	_ =	sdelay $0x1  }
0xf2: {  	s25 =	sadd.f32 s28, s23  }
0xf3: {  	s30 =	sand.u32 s19, s21;
	s29 =	sxor.u32 s19, s21  }
0xf4: {  	s23 =	sshra.s32 s29, $0x1;
	p0 =	slt.s32 s25, $0x0;
	s24 =	sxor.u32 $0x7FFFFFFF, s25  }
0xf5: {  	s23 =	sadd.s32 s23, s30;
	s25 =	smov.u32 @p0 s24;
	p0 =	slt.u32 s17, $0x8  }
0xf6: {  	s24 =	sadd.s32 $0x1, s21;
	s23 =	smov.u32 @p0 s25  }
0xf7: {  	p0 =	sgt.s32 s24, s23  }
0xf8: {  	s31 =	simm.s32 $0x0;
	s25 =	sadd.s32 $0xFFFFFFFF, s19;
	s23 =	smov.u32 @p0 s24  }
0xf9: {  	v2 =	vld [tilespmem:s31+$0x0];
	p0 =	slt.s32 s25, s23  }
0xfa: {  	v4 =	vld [tilespmem:s31+$0x10];
	s23 =	smov.u32 @p0 s25  }
0xfb: {  	v6 =	vld [tilespmem:s31+$0x20];
	p0 =	slt.s32 s23, $0x0;
	s26 =	sxor.u32 $0x7FFFFFFF, s23;
	s25 =	smov.u32 s23  }
0xfc: {  	v5 =	vld [tilespmem:s31+$0x30];
	s25 =	smov.u32 @p0 s26  }
0xfd: {  	v3 =	vld [tilespmem:s31+$0x40];
	v1 =	vmov s25  }
0xfe: {  	vm0 =	vge.f32 v2, v1;
	v2 =	vld [tilespmem:s31+$0x50]  }
0xff: {  	v7 =	vimm.s32 $0x0;
	v8 =	vsel vm0, $0x1, v0;
	vm0 =	vge.f32 v4, v1;
	v4 =	vld [tilespmem:s31+$0x60]  }
0x100: {  	s28 =	simm.s32 $0x400;
	s26 =	simm.s32 $0x80;
	v7 =	vadd.s32 v8, v7;
	v8 =	vsel vm0, $0x1, v0;
	vm0 =	vge.f32 v6, v1;
	v6 =	vld [tilespmem:s31+$0x70]  }
.LBB2_15:
0x101: {  	p0 =	sne.s32 s28, $0x1FE00;
	v9 =	vld [tilespmem:s26+$0x0];
	v7 =	vadd.s32 v8, v7;
	v8 =	vsel vm0, $0x1, v0;
	vm0 =	vge.f32 v5, v1  }
0x102: {  	v10 =	vld [tilespmem:s26+$0x10];
	v5 =	vadd.s32 v8, v7;
	v7 =	vsel vm0, $0x1, v0;
	vm0 =	vge.f32 v3, v1  }
0x103: {  	v11 =	vld [tilespmem:s26+$0x20];
	v3 =	vadd.s32 v7, v5;
	v7 =	vsel vm0, $0x1, v0;
	vm0 =	vge.f32 v2, v1  }
.Ltmp6:
0x104: {  	v5 =	vld [tilespmem:s26+$0x30];
	v2 =	vadd.s32 v7, v3;
	v7 =	vsel vm0, $0x1, v0;
	vm0 =	vge.f32 v4, v1;
	(pc) =	sbr.rel @p0 .LBB2_15-.Ltmp6, $4  }
0x105: {  	v3 =	vld [tilespmem:s26+$0x40];
	v4 =	vadd.s32 v7, v2;
	v7 =	vsel vm0, $0x1, v0;
	vm0 =	vge.f32 v6, v1  }
0x106: {  	vm1 =	vge.f32 v9, v1;
	v2 =	vld [tilespmem:s26+$0x50];
	v6 =	vadd.s32 v7, v4;
	v7 =	vsel vm0, $0x1, v0  }
0x107: {  	v8 =	vsel vm1, $0x1, v0;
	vm0 =	vge.f32 v10, v1;
	v4 =	vld [tilespmem:s26+$0x60];
	v6 =	vadd.s32 v7, v6  }
0x108: {  	v7 =	vadd.s32 v8, v6;
	v8 =	vsel vm0, $0x1, v0;
	vm0 =	vge.f32 v11, v1;
	v6 =	vld [tilespmem:s26+$0x70];
	s26 =	sshra.s32 s28, $0x2;
	s28 =	sadd.s32 $0x200, s28  }
0x109: {  	v9 =	vld [tilespmem:s26+$0x0];
	v7 =	vadd.s32 v8, v7;
	v49 =	vsel vm0, $0x1, v0;
	vm4 =	vge.f32 v5, v1  }
0x10a: {  	v50 =	vld [tilespmem:s26+$0x10];
	v7 =	vadd.s32 v49, v7;
	v51 =	vsel vm4, $0x1, v0;
	vm5 =	vge.f32 v3, v1  }
0x10b: {  	v3 =	vld [tilespmem:s26+$0x20];
	v7 =	vadd.s32 v51, v7;
	v52 =	vsel vm5, $0x1, v0;
	vm6 =	vge.f32 v2, v1  }
0x10c: {  	v2 =	vld [tilespmem:s26+$0x30];
	v7 =	vadd.s32 v52, v7;
	v53 =	vsel vm6, $0x1, v0;
	vm7 =	vge.f32 v4, v1  }
0x10d: {  	v54 =	vld [tilespmem:s26+$0x40];
	v7 =	vadd.s32 v53, v7;
	v55 =	vsel vm7, $0x1, v0;
	vm8 =	vge.f32 v6, v1  }
0x10e: {  	v56 =	vld [tilespmem:s26+$0x50];
	vm1 =	vge.f32 v9, v1;
	v7 =	vadd.s32 v55, v7;
	v57 =	vsel vm8, $0x1, v0  }
0x10f: {  	v58 =	vld [tilespmem:s26+$0x60];
	vm9 =	vge.f32 v50, v1;
	v9 =	vsel vm1, $0x1, v0;
	v7 =	vadd.s32 v57, v7  }
0x110: {  	v59 =	vsel vm9, $0x1, v0;
	vm10 =	vge.f32 v3, v1;
	v3 =	vld [tilespmem:s26+$0x70];
	v7 =	vadd.s32 v9, v7  }
0x111: {  	v60 =	vsel vm10, $0x1, v0;
	vm11 =	vge.f32 v2, v1;
	v7 =	vadd.s32 v59, v7  }
0x112: {  	vm12 =	vge.f32 v54, v1;
	v61 =	vsel vm11, $0x1, v0;
	v2 =	vadd.s32 v60, v7  }
0x113: {  	vm13 =	vge.f32 v56, v1;
	v4 =	vsel vm12, $0x1, v0;
	v2 =	vadd.s32 v61, v2  }
0x114: {  	vm14 =	vge.f32 v58, v1;
	v62 =	vsel vm13, $0x1, v0;
	v2 =	vadd.s32 v4, v2  }
0x115: {  	v63 =	vsel vm14, $0x1, v0;
	vm15 =	vge.f32 v3, v1;
	v2 =	vadd.s32 v62, v2  }
0x116: {  	v1 =	vadd.s32 v63, v2;
	v2 =	vsel vm15, $0x1, v0  }
0x117: {  	v1 =	vadd.s32 v2, v1  }
0x118: {  	(xrf0) =	vadd.scan.msk.s32 $0xffff, v1;
	_ =	sdelay $0x5  }
0x119: {  	v1, _, _ =	vpop (xrf0)  }
0x11a: {  	(v2sf) =	vpush v1, $0xF;
	_ =	sdelay $0xe  }
0x11b: {  	s31 =	spop (v2sf)  }
0x11c: {  	s28 =	scvt.s32.f32 s31;
	_ =	sdelay $0x1  }
0x11d: {  	s28 =	smax.f32 s28, $5.000000000e-01  }
0x11e: {  	s28 =	scvt.s32.f32 s28  }
0x11f: {  	p1 =	seq.s32 s19, s24;
	s24 =	smov.u32 s23  }
0x120: {  	p2 =	seq.s32 s31, $0x147;
	p3 =	slt.s32 s31, $0x147;
	s28 =	smul.f32 $1.192092900e-07, s28  }
0x121: {  	p4 =	sgt.s32 s31, $0x146;
	p0 =	por p1, p2;
	s16 =	smov.u32 @p2 s25  }
0x122: {  	p2 =	por p1, p4;
	p3 =	por p3, p0;
	s28 =	sadd.f32 $-1.270000000e+02, s28  }
0x123: {  	p6 =	sgt.u32 s17, $0x30;
	s23 =	smov.u32 @p2 s19;
	s24 =	smov.u32 @p3 s21  }
0x124: {  	s21 =	smov.u32 s28;
	s28 =	smov.u32 @p2 s18;
	p2 =	por p6, p0  }
.Ltmp7:
0x125: {  	_ = 	snop;
	(pc) =	sbr.rel @!p2 .LBB2_14-.Ltmp7, $4  }
0x126: {  	_ = 	snop  }
0x127: {  	s17 =	sadd.s32 $0x1, s17  }
0x128: {  	s16 =	smov.u32 @p1 s22;
	s19 =	smov.u32 s23;
	s21 =	smov.u32 @p3 s20  }
0x129: {  	s18 =	smov.u32 s28;
	s20 =	smov.u32 s21;
	s21 =	smov.u32 s24  }
0x12a: {  	s17 =	simm.s32 $0x0  }
0x12b: {  	v5 =	vld [tilespmem:s17+$0x0]  }
0x12c: {  	p1 =	slt.s32 s24, $0x0;
	s18 =	sxor.u32 $0x7FFFFFFF, s24;
	v7 =	vld [tilespmem:s17+$0x10]  }
0x12d: {  	s24 =	smov.u32 @p1 s18;
	v6 =	vld [tilespmem:s17+$0x20]  }
0x12e: {  	v4 =	vld [tilespmem:s17+$0x30];
	s24 =	smov.u32 @p0 s16  }
0x12f: {  	v2 =	vld [tilespmem:s17+$0x40];
	v1 =	vmov s24  }
0x130: {  	v3 =	vld [tilespmem:s17+$0x50];
	vm0 =	vge.f32 v5, v1  }
0x131: {  	s16 =	simm.s32 $0x200;
	v8 =	vnsel vm0, $0x0, v5;
	vm0 =	vge.f32 v7, v1;
	v5 =	vld [tilespmem:s17+$0x60]  }
.LBB2_18:
0x132: {  	s18 =	sshra.s32 s16, $0x2;
	p0 =	sne.s32 s16, $0x1FE00;
	[tilespmem:s17+$0x0] =	vst v8;
	v7 =	vnsel vm0, $0x0, v7;
	vm0 =	vge.f32 v6, v1;
	v8 =	vld [tilespmem:s17+$0x70]  }
0x133: {  	v9 =	vld [tilespmem:s18+$0x0];
	[tilespmem:s17+$0x10] =	vst v7;
	v6 =	vnsel vm0, $0x0, v6;
	vm0 =	vge.f32 v4, v1  }
0x134: {  	v7 =	vld [tilespmem:s18+$0x10];
	[tilespmem:s17+$0x20] =	vst v6;
	v4 =	vnsel vm0, $0x0, v4;
	vm0 =	vge.f32 v2, v1  }
.Ltmp8:
0x135: {  	v6 =	vld [tilespmem:s18+$0x20];
	[tilespmem:s17+$0x30] =	vst v4;
	v2 =	vnsel vm0, $0x0, v2;
	vm0 =	vge.f32 v3, v1;
	(pc) =	sbr.rel @p0 .LBB2_18-.Ltmp8, $4  }
0x136: {  	v4 =	vld [tilespmem:s18+$0x30];
	[tilespmem:s17+$0x40] =	vst v2;
	v3 =	vnsel vm0, $0x0, v3;
	vm0 =	vge.f32 v5, v1  }
0x137: {  	v2 =	vld [tilespmem:s18+$0x40];
	[tilespmem:s17+$0x50] =	vst v3;
	v5 =	vnsel vm0, $0x0, v5;
	vm0 =	vge.f32 v8, v1  }
0x138: {  	vm1 =	vge.f32 v9, v1;
	v3 =	vld [tilespmem:s18+$0x50];
	[tilespmem:s17+$0x60] =	vst v5;
	v10 =	vnsel vm0, $0x0, v8  }
0x139: {  	s16 =	sadd.s32 $0x200, s16;
	v8 =	vnsel vm1, $0x0, v9;
	vm0 =	vge.f32 v7, v1;
	v5 =	vld [tilespmem:s18+$0x60];
	[tilespmem:s17+$0x70] =	vst v10;
	s17 =	smov.u32 s18  }
0x13a: {  	[tilespmem:s17+$0x0] =	vst v8;
	v7 =	vnsel vm0, $0x0, v7;
	vm10 =	vge.f32 v6, v1;
	v63 =	vld [tilespmem:s17+$0x70]  }
0x13b: {  	[tilespmem:s17+$0x10] =	vst v7;
	v6 =	vnsel vm10, $0x0, v6;
	vm11 =	vge.f32 v4, v1  }
0x13c: {  	[tilespmem:s17+$0x20] =	vst v6;
	v4 =	vnsel vm11, $0x0, v4;
	vm12 =	vge.f32 v2, v1  }
0x13d: {  	[tilespmem:s17+$0x30] =	vst v4;
	v2 =	vnsel vm12, $0x0, v2;
	vm13 =	vge.f32 v3, v1  }
0x13e: {  	[tilespmem:s17+$0x40] =	vst v2;
	v2 =	vnsel vm13, $0x0, v3;
	vm14 =	vge.f32 v5, v1  }
0x13f: {  	[tilespmem:s17+$0x50] =	vst v2;
	v2 =	vnsel vm14, $0x0, v5;
	vm15 =	vge.f32 v63, v1  }
0x140: {  	[tilespmem:s17+$0x60] =	vst v2;
	v1 =	vnsel vm15, $0x0, v63  }
0x141: {  	[tilespmem:s17+$0x70] =	vst v1;
	s17 =	simm.s32 $0x0  }
0x142: {  	[hbm4b:s8+s12] =	stream.strided.scatter [tilespmem:s17], [sflag:$0x1], $0x8000, s13, s12, $0x38;
	[tilespmem:$0x8000] =	vst v63  }
0x143: {  	_ =	swait.ge [sflag:s14], $0x8000  }
0x144: {  	[sflag:s14] =	ssyncset.done $0x0  }
0x145: {  	[sflag:s14] =	ssyncadd.s32 $0xFFFF8000  }
0x146: {  	[tilespmem:s17], [sflag:$0x1] =	stream.strided.gather [hbm4b:s9+s12], $0x8000, s13, s12, $0x38;
	[tilespmem:$0x8000] =	vst v63  }
0x147: {  	s21 =	simm.s32 $0x807FFFFF;
	_ =	swait.ge [sflag:s14], $0x8000  }
0x148: {  	s19 =	simm.s32 $0x7F800001;
	s20 =	simm.f32 $1.500000000e+01;
	[sflag:s14] =	ssyncset.done $0x0  }
0x149: {  	s18 =	simm.f32 $-1.000000000e+00;
	s16 =	simm.f32 $0.0e+00;
	[sflag:s14] =	ssyncadd.s32 $0xFFFF8000  }
.LBB2_20:
0x14a: {  	s22 =	ssub.f32 s20, s18;
	_ =	sdelay $0x1  }
0x14b: {  	s23 =	ssub.s32 $0x7EF127EA, s22  }
0x14c: {  	s24 =	smul.f32 s23, s22;
	_ =	sdelay $0x1  }
0x14d: {  	s24 =	ssub.f32 $2.000000000e+00, s24;
	_ =	sdelay $0x1  }
0x14e: {  	s23 =	smul.f32 s23, s24;
	_ =	sdelay $0x1  }
0x14f: {  	s24 =	smul.f32 s23, s22;
	_ =	sdelay $0x1  }
0x150: {  	s24 =	ssub.f32 $2.000000000e+00, s24;
	_ =	sdelay $0x1  }
0x151: {  	s23 =	smul.f32 s24, s23;
	_ =	sdelay $0x1  }
0x152: {  	s22 =	smul.f32 s23, s22;
	_ =	sdelay $0x1  }
0x153: {  	p0 =	slt.s32 s21, $0x0;
	s25 =	sxor.u32 $0x7FFFFFFF, s21;
	s31 =	ssub.f32 $2.000000000e+00, s22  }
0x154: {  	p1 =	slt.s32 s19, $0x0;
	s26 =	sxor.u32 $0x7FFFFFFF, s19;
	s28 =	smov.u32 s19  }
0x155: {  	s29 =	ssub.f32 $8.353146550e+00, s18;
	s22 =	smov.u32 s21;
	s23 =	smul.f32 s31, s23  }
0x156: {  	s28 =	smov.u32 @p1 s26;
	s22 =	smov.u32 @p0 s25  }
0x157: {  	s26 =	ssub.f32 s22, s28;
	s23 =	smul.f32 s23, s29  }
0x158: {  	_ = 	snop  }
0x159: {  	s23 =	smul.f32 s23, s26;
	_ =	sdelay $0x1  }
0x15a: {  	s25 =	sadd.f32 s28, s23  }
0x15b: {  	s30 =	sand.u32 s19, s21;
	s29 =	sxor.u32 s19, s21  }
0x15c: {  	s23 =	sshra.s32 s29, $0x1;
	p0 =	slt.s32 s25, $0x0;
	s24 =	sxor.u32 $0x7FFFFFFF, s25  }
0x15d: {  	s23 =	sadd.s32 s23, s30;
	s25 =	smov.u32 @p0 s24;
	p0 =	slt.u32 s17, $0x8  }
0x15e: {  	s24 =	sadd.s32 $0x1, s21;
	s23 =	smov.u32 @p0 s25  }
0x15f: {  	p0 =	sgt.s32 s24, s23  }
0x160: {  	s31 =	simm.s32 $0x0;
	s25 =	sadd.s32 $0xFFFFFFFF, s19;
	s23 =	smov.u32 @p0 s24  }
0x161: {  	v2 =	vld [tilespmem:s31+$0x0];
	p0 =	slt.s32 s25, s23  }
0x162: {  	v4 =	vld [tilespmem:s31+$0x10];
	s23 =	smov.u32 @p0 s25  }
0x163: {  	v6 =	vld [tilespmem:s31+$0x20];
	p0 =	slt.s32 s23, $0x0;
	s26 =	sxor.u32 $0x7FFFFFFF, s23;
	s25 =	smov.u32 s23  }
0x164: {  	v5 =	vld [tilespmem:s31+$0x30];
	s25 =	smov.u32 @p0 s26  }
0x165: {  	v3 =	vld [tilespmem:s31+$0x40];
	v1 =	vmov s25  }
0x166: {  	vm0 =	vge.f32 v2, v1;
	v2 =	vld [tilespmem:s31+$0x50]  }
0x167: {  	v7 =	vimm.s32 $0x0;
	v8 =	vsel vm0, $0x1, v0;
	vm0 =	vge.f32 v4, v1;
	v4 =	vld [tilespmem:s31+$0x60]  }
0x168: {  	s28 =	simm.s32 $0x400;
	s26 =	simm.s32 $0x80;
	v7 =	vadd.s32 v8, v7;
	v8 =	vsel vm0, $0x1, v0;
	vm0 =	vge.f32 v6, v1;
	v6 =	vld [tilespmem:s31+$0x70]  }
.LBB2_21:
0x169: {  	p0 =	sne.s32 s28, $0x1FE00;
	v9 =	vld [tilespmem:s26+$0x0];
	v7 =	vadd.s32 v8, v7;
	v8 =	vsel vm0, $0x1, v0;
	vm0 =	vge.f32 v5, v1  }
0x16a: {  	v10 =	vld [tilespmem:s26+$0x10];
	v5 =	vadd.s32 v8, v7;
	v7 =	vsel vm0, $0x1, v0;
	vm0 =	vge.f32 v3, v1  }
0x16b: {  	v11 =	vld [tilespmem:s26+$0x20];
	v3 =	vadd.s32 v7, v5;
	v7 =	vsel vm0, $0x1, v0;
	vm0 =	vge.f32 v2, v1  }
.Ltmp9:
0x16c: {  	v5 =	vld [tilespmem:s26+$0x30];
	v2 =	vadd.s32 v7, v3;
	v7 =	vsel vm0, $0x1, v0;
	vm0 =	vge.f32 v4, v1;
	(pc) =	sbr.rel @p0 .LBB2_21-.Ltmp9, $4  }
0x16d: {  	v3 =	vld [tilespmem:s26+$0x40];
	v4 =	vadd.s32 v7, v2;
	v7 =	vsel vm0, $0x1, v0;
	vm0 =	vge.f32 v6, v1  }
0x16e: {  	vm1 =	vge.f32 v9, v1;
	v2 =	vld [tilespmem:s26+$0x50];
	v6 =	vadd.s32 v7, v4;
	v7 =	vsel vm0, $0x1, v0  }
0x16f: {  	v8 =	vsel vm1, $0x1, v0;
	vm0 =	vge.f32 v10, v1;
	v4 =	vld [tilespmem:s26+$0x60];
	v6 =	vadd.s32 v7, v6  }
0x170: {  	v7 =	vadd.s32 v8, v6;
	v8 =	vsel vm0, $0x1, v0;
	vm0 =	vge.f32 v11, v1;
	v6 =	vld [tilespmem:s26+$0x70];
	s26 =	sshra.s32 s28, $0x2;
	s28 =	sadd.s32 $0x200, s28  }
0x171: {  	v9 =	vld [tilespmem:s26+$0x0];
	v7 =	vadd.s32 v8, v7;
	v49 =	vsel vm0, $0x1, v0;
	vm4 =	vge.f32 v5, v1  }
0x172: {  	v50 =	vld [tilespmem:s26+$0x10];
	v7 =	vadd.s32 v49, v7;
	v51 =	vsel vm4, $0x1, v0;
	vm5 =	vge.f32 v3, v1  }
0x173: {  	v3 =	vld [tilespmem:s26+$0x20];
	v7 =	vadd.s32 v51, v7;
	v52 =	vsel vm5, $0x1, v0;
	vm6 =	vge.f32 v2, v1  }
0x174: {  	v2 =	vld [tilespmem:s26+$0x30];
	v7 =	vadd.s32 v52, v7;
	v53 =	vsel vm6, $0x1, v0;
	vm7 =	vge.f32 v4, v1  }
0x175: {  	v54 =	vld [tilespmem:s26+$0x40];
	v7 =	vadd.s32 v53, v7;
	v55 =	vsel vm7, $0x1, v0;
	vm8 =	vge.f32 v6, v1  }
0x176: {  	v56 =	vld [tilespmem:s26+$0x50];
	vm1 =	vge.f32 v9, v1;
	v7 =	vadd.s32 v55, v7;
	v57 =	vsel vm8, $0x1, v0  }
0x177: {  	v58 =	vld [tilespmem:s26+$0x60];
	vm9 =	vge.f32 v50, v1;
	v9 =	vsel vm1, $0x1, v0;
	v7 =	vadd.s32 v57, v7  }
0x178: {  	v59 =	vsel vm9, $0x1, v0;
	vm10 =	vge.f32 v3, v1;
	v3 =	vld [tilespmem:s26+$0x70];
	v7 =	vadd.s32 v9, v7  }
0x179: {  	v60 =	vsel vm10, $0x1, v0;
	vm11 =	vge.f32 v2, v1;
	v7 =	vadd.s32 v59, v7  }
0x17a: {  	vm12 =	vge.f32 v54, v1;
	v61 =	vsel vm11, $0x1, v0;
	v2 =	vadd.s32 v60, v7  }
0x17b: {  	vm13 =	vge.f32 v56, v1;
	v4 =	vsel vm12, $0x1, v0;
	v2 =	vadd.s32 v61, v2  }
0x17c: {  	vm14 =	vge.f32 v58, v1;
	v62 =	vsel vm13, $0x1, v0;
	v2 =	vadd.s32 v4, v2  }
0x17d: {  	v63 =	vsel vm14, $0x1, v0;
	vm15 =	vge.f32 v3, v1;
	v2 =	vadd.s32 v62, v2  }
0x17e: {  	v1 =	vadd.s32 v63, v2;
	v2 =	vsel vm15, $0x1, v0  }
0x17f: {  	v1 =	vadd.s32 v2, v1  }
0x180: {  	(xrf0) =	vadd.scan.msk.s32 $0xffff, v1;
	_ =	sdelay $0x5  }
0x181: {  	v1, _, _ =	vpop (xrf0)  }
0x182: {  	(v2sf) =	vpush v1, $0xF;
	_ =	sdelay $0xe  }
0x183: {  	s31 =	spop (v2sf)  }
0x184: {  	s28 =	scvt.s32.f32 s31;
	_ =	sdelay $0x1  }
0x185: {  	s28 =	smax.f32 s28, $5.000000000e-01  }
0x186: {  	s28 =	scvt.s32.f32 s28  }
0x187: {  	p1 =	seq.s32 s19, s24;
	s24 =	smov.u32 s23  }
0x188: {  	p2 =	seq.s32 s31, $0x147;
	p3 =	slt.s32 s31, $0x147;
	s28 =	smul.f32 $1.192092900e-07, s28  }
0x189: {  	p4 =	sgt.s32 s31, $0x146;
	p0 =	por p1, p2;
	s16 =	smov.u32 @p2 s25  }
0x18a: {  	p2 =	por p1, p4;
	p3 =	por p3, p0;
	s28 =	sadd.f32 $-1.270000000e+02, s28  }
0x18b: {  	p6 =	sgt.u32 s17, $0x30;
	s23 =	smov.u32 @p2 s19;
	s24 =	smov.u32 @p3 s21  }
0x18c: {  	s21 =	smov.u32 s28;
	s28 =	smov.u32 @p2 s18;
	p2 =	por p6, p0  }
.Ltmp10:
0x18d: {  	_ = 	snop;
	(pc) =	sbr.rel @!p2 .LBB2_20-.Ltmp10, $4  }
0x18e: {  	_ = 	snop  }
0x18f: {  	s17 =	sadd.s32 $0x1, s17  }
0x190: {  	s16 =	smov.u32 @p1 s22;
	s19 =	smov.u32 s23;
	s21 =	smov.u32 @p3 s20  }
0x191: {  	s18 =	smov.u32 s28;
	s20 =	smov.u32 s21;
	s21 =	smov.u32 s24  }
0x192: {  	s17 =	simm.s32 $0x0  }
0x193: {  	v5 =	vld [tilespmem:s17+$0x0]  }
0x194: {  	p1 =	slt.s32 s24, $0x0;
	s18 =	sxor.u32 $0x7FFFFFFF, s24;
	v7 =	vld [tilespmem:s17+$0x10]  }
0x195: {  	s24 =	smov.u32 @p1 s18;
	v6 =	vld [tilespmem:s17+$0x20]  }
0x196: {  	v4 =	vld [tilespmem:s17+$0x30];
	s24 =	smov.u32 @p0 s16  }
0x197: {  	v2 =	vld [tilespmem:s17+$0x40];
	v1 =	vmov s24  }
0x198: {  	v3 =	vld [tilespmem:s17+$0x50];
	vm0 =	vge.f32 v5, v1  }
0x199: {  	s16 =	simm.s32 $0x200;
	v8 =	vnsel vm0, $0x0, v5;
	vm0 =	vge.f32 v7, v1;
	v5 =	vld [tilespmem:s17+$0x60]  }
.LBB2_24:
0x19a: {  	s18 =	sshra.s32 s16, $0x2;
	p0 =	sne.s32 s16, $0x1FE00;
	[tilespmem:s17+$0x0] =	vst v8;
	v7 =	vnsel vm0, $0x0, v7;
	vm0 =	vge.f32 v6, v1;
	v8 =	vld [tilespmem:s17+$0x70]  }
0x19b: {  	v9 =	vld [tilespmem:s18+$0x0];
	[tilespmem:s17+$0x10] =	vst v7;
	v6 =	vnsel vm0, $0x0, v6;
	vm0 =	vge.f32 v4, v1  }
0x19c: {  	v7 =	vld [tilespmem:s18+$0x10];
	[tilespmem:s17+$0x20] =	vst v6;
	v4 =	vnsel vm0, $0x0, v4;
	vm0 =	vge.f32 v2, v1  }
.Ltmp11:
0x19d: {  	v6 =	vld [tilespmem:s18+$0x20];
	[tilespmem:s17+$0x30] =	vst v4;
	v2 =	vnsel vm0, $0x0, v2;
	vm0 =	vge.f32 v3, v1;
	(pc) =	sbr.rel @p0 .LBB2_24-.Ltmp11, $4  }
0x19e: {  	v4 =	vld [tilespmem:s18+$0x30];
	[tilespmem:s17+$0x40] =	vst v2;
	v3 =	vnsel vm0, $0x0, v3;
	vm0 =	vge.f32 v5, v1  }
0x19f: {  	v2 =	vld [tilespmem:s18+$0x40];
	[tilespmem:s17+$0x50] =	vst v3;
	v5 =	vnsel vm0, $0x0, v5;
	vm0 =	vge.f32 v8, v1  }
0x1a0: {  	vm1 =	vge.f32 v9, v1;
	v3 =	vld [tilespmem:s18+$0x50];
	[tilespmem:s17+$0x60] =	vst v5;
	v10 =	vnsel vm0, $0x0, v8  }
0x1a1: {  	s16 =	sadd.s32 $0x200, s16;
	v8 =	vnsel vm1, $0x0, v9;
	vm0 =	vge.f32 v7, v1;
	v5 =	vld [tilespmem:s18+$0x60];
	[tilespmem:s17+$0x70] =	vst v10;
	s17 =	smov.u32 s18  }
0x1a2: {  	[tilespmem:s17+$0x0] =	vst v8;
	v7 =	vnsel vm0, $0x0, v7;
	vm10 =	vge.f32 v6, v1;
	v63 =	vld [tilespmem:s17+$0x70]  }
0x1a3: {  	[tilespmem:s17+$0x10] =	vst v7;
	v6 =	vnsel vm10, $0x0, v6;
	vm11 =	vge.f32 v4, v1  }
0x1a4: {  	[tilespmem:s17+$0x20] =	vst v6;
	v4 =	vnsel vm11, $0x0, v4;
	vm12 =	vge.f32 v2, v1  }
0x1a5: {  	[tilespmem:s17+$0x30] =	vst v4;
	v2 =	vnsel vm12, $0x0, v2;
	vm13 =	vge.f32 v3, v1  }
0x1a6: {  	[tilespmem:s17+$0x40] =	vst v2;
	v2 =	vnsel vm13, $0x0, v3;
	vm14 =	vge.f32 v5, v1  }
0x1a7: {  	s15 =	sadd.s32 $0x1, s15;
	[tilespmem:s17+$0x50] =	vst v2;
	v2 =	vnsel vm14, $0x0, v5;
	vm15 =	vge.f32 v63, v1  }
0x1a8: {  	p0 =	sne.s32 s15, s11;
	[tilespmem:s17+$0x60] =	vst v2;
	v1 =	vnsel vm15, $0x0, v63  }
.Ltmp12:
0x1a9: {  	[tilespmem:s17+$0x70] =	vst v1;
	(pc) =	sbr.rel @p0 .LBB2_1-.Ltmp12, $4  }
0x1aa: {  	[hbm4b:s10+s12] =	stream.strided.scatter [tilespmem:s2], [sflag:$0x1], $0x8000, s13, s12, $0x38;
	[tilespmem:$0x8000] =	vst v63  }
0x1ab: {  	_ =	swait.ge [sflag:s14], $0x8000  }
0x1ac: {  	[sflag:s14] =	ssyncset.done $0x0  }
0x1ad: {  	[sflag:s14] =	ssyncadd.s32 $0xFFFF8000  }
0x1ae: {  	_ =	sfence.sel $0x180000  }
0x1af: {  	[bflag:$0x0] =	sbarrier.arrive $0xFFFF  }
0x1b0: {  	p0 =	sne.s32 s1, $0x0;
	_ =	strace $0x90000047  }
0x1b1: {  	s0 =	sadd.s32 @!p0 $0x100000, s0;
	[bflag:$0x2] =	sbarrier.arrive $0xFFFF  }
0x1b2: {  	[sflag:s0] =	ssyncadd.tile.s32 @!p0 $0x1;
	_ =	shalt  }
.Lfunc_end2:
_tile_overlayer_lowered:
.L_overlay_start_2:
0x1b3: {  	(tag) =	ssettag $0x2  }
0x1b4: {  	s0 =	rddreg [dreg:$0x0];
	s2 =	stileid.u32  }
0x1b5: {  	s1 =	rddreg [dreg:$0x1];
	p0 =	sne.s32 s2, $0x0  }
0x1b6: {  	s3 =	rddreg [dreg:$0x2];
	[bflag:$0x3] =	sbarrier.arrive $0xFFFF;
	s2 =	simm.s32 @!p0 $0x1C01  }
0x1b7: {  	[timem:s3], [sflag:s2] =	dma.local @!p0 [hbm:s0], s1  }
0x1b8: {  	s0 =	simm.s32 @!p0 $0x1  }
0x1b9: {  	_ =	swait.ge @!p0 [sflag:s0], s1  }
0x1ba: {  	s1 =	ssub.s32 @!p0 $0x0, s1;
	[sflag:s0] =	ssyncset.done @!p0 $0x0  }
0x1bb: {  	[sflag:s0] =	ssyncadd.s32 @!p0 s1  }
0x1bc: {  	[bflag:$0x3] =	sbarrier.arrive $0xFFFF  }
0x1bd: {  	_ =	shalt  }

</sc_bundles>
